<compile_context>
chip_gen: v7x
topology: tpu7x:2x2x1
jax: 0.10.2.dev20260603
libtpu: 0.0.44.dev20260713+nightly
codegen_flags: <defaults>
</compile_context>

<pallas_src>
import functools

import jax
import jax.numpy as jnp
from jax import lax
from jax.experimental import pallas as pl
from jax.experimental.pallas import tpu as pltpu
from jax.experimental.pallas import tpu_sc as plsc

_NC = 2
_NS = 16
_NW = _NC * _NS
_B = 16384
_D = 512
_BW = _B // _NW
_C = 32
_NCHUNK = _BW // _C
_L = 16
_WPAD = 2 * _D + _L


def _lane_shuffle(v, idx):
  dnums = lax.GatherDimensionNumbers(
      offset_dims=(), collapsed_slice_dims=(0,), start_index_map=(0,))
  return lax.gather(v, idx[:, None], dnums, slice_sizes=(1,),
                    mode=lax.GatherScatterMode.PROMISE_IN_BOUNDS)


def _hsum16(vecs, lane):
  s = 1
  while len(vecs) > 1:
    nxt = []
    for k in range(0, len(vecs), 2):
      u, w = vecs[k], vecs[k + 1]
      m = (lane & s) == 0
      a = jnp.where(m, u, w)
      b = jnp.where(m, w, u)
      nxt.append(a + _lane_shuffle(b, lane ^ s))
    vecs = nxt
    s *= 2
  return vecs[0]


def _dot_chunk(rb0, rb1, w_v, b_vec, out_v, out_base):
  lane = lax.iota(jnp.int32, _L)
  zero = jnp.zeros((_L,), jnp.float32)

  def g_body(g, carry):
    @plsc.parallel_loop(0, _D // _L, unroll=8,
                        carry=tuple(zero for _ in range(_L)))
    def accs(j, acc):
      joff = pl.multiple_of(j * _L, _L)
      w0 = w_v[pl.ds(joff, _L)]
      w1 = w_v[pl.ds(pl.multiple_of(_D + joff, _L), _L)]
      out = []
      for rr in range(_L):
        r = g * _L + rr
        out.append(acc[rr]
                   + rb0[r, pl.ds(joff, _L)] * w0
                   + rb1[r, pl.ds(joff, _L)] * w1)
      return tuple(out)

    out_vec = _hsum16(list(accs), lane) + b_vec
    idx = pl.multiple_of(out_base + g * _L, _L)
    out_v[pl.ds(idx, _L)] = out_vec
    return carry

  lax.fori_loop(0, _C // _L, g_body, 0)


def _make_sc_kernel():
  mesh = plsc.VectorSubcoreMesh(core_axis_name="c", subcore_axis_name="s")

  @functools.partial(
      pl.kernel,
      mesh=mesh,
      out_type=jax.ShapeDtypeStruct((_B,), jnp.float32),
      scratch_types=[
          pltpu.VMEM((_WPAD,), jnp.float32),
          pltpu.VMEM((_BW,), jnp.int32),
          pltpu.VMEM((_BW,), jnp.int32),
          pltpu.VMEM((_C, _D), jnp.float32),
          pltpu.VMEM((_C, _D), jnp.float32),
          pltpu.VMEM((_C, _D), jnp.float32),
          pltpu.VMEM((_C, _D), jnp.float32),
          pltpu.VMEM((_BW,), jnp.float32),
          pltpu.SemaphoreType.DMA,
          pltpu.SemaphoreType.DMA,
          pltpu.SemaphoreType.DMA,
          pltpu.SemaphoreType.DMA,
      ],
  )
  def sc_kernel(table_hbm, idx0_hbm, idx1_hbm, wb_hbm, out_hbm,
                w_v, idx0_v, idx1_v, rbA0, rbA1, rbB0, rbB1, out_v,
                semA0, semA1, semB0, semB1):
    wid = lax.axis_index("s") * _NC + lax.axis_index("c")
    base = pl.multiple_of(wid * _BW, _BW)
    cpw = pltpu.make_async_copy(wb_hbm, w_v, semA0)
    cpi0 = pltpu.make_async_copy(idx0_hbm.at[pl.ds(base, _BW)], idx0_v, semA1)
    cpi1 = pltpu.make_async_copy(idx1_hbm.at[pl.ds(base, _BW)], idx1_v, semB0)
    cpw.start()
    cpi0.start()
    cpi1.start()
    cpw.wait()
    cpi0.wait()
    cpi1.wait()
    b_vec = w_v[pl.ds(2 * _D, _L)]

    def gathers(c, rb0, rb1, sem0, sem1):
      off = pl.multiple_of(c * _C, _C)
      cp0 = pltpu.make_async_copy(
          table_hbm.at[idx0_v.at[pl.ds(off, _C)]], rb0, sem0)
      cp1 = pltpu.make_async_copy(
          table_hbm.at[idx1_v.at[pl.ds(off, _C)]], rb1, sem1)
      return cp0, cp1

    def start(c, rb0, rb1, sem0, sem1):
      cp0, cp1 = gathers(c, rb0, rb1, sem0, sem1)
      cp0.start()
      cp1.start()

    def wait_compute(c, rb0, rb1, sem0, sem1):
      cp0, cp1 = gathers(c, rb0, rb1, sem0, sem1)
      cp0.wait()
      cp1.wait()
      _dot_chunk(rb0, rb1, w_v, b_vec, out_v, c * _C)

    start(0, rbA0, rbA1, semA0, semA1)
    start(1, rbB0, rbB1, semB0, semB1)

    def pair_body(p, carry):
      cA = 2 * p
      wait_compute(cA, rbA0, rbA1, semA0, semA1)

      @pl.when(p < _NCHUNK // 2 - 1)
      def _():
        start(cA + 2, rbA0, rbA1, semA0, semA1)

      wait_compute(cA + 1, rbB0, rbB1, semB0, semB1)

      @pl.when(p < _NCHUNK // 2 - 1)
      def _():
        start(cA + 3, rbB0, rbB1, semB0, semB1)

      return carry

    lax.fori_loop(0, _NCHUNK // 2, pair_body, 0)
    pltpu.sync_copy(out_v, out_hbm.at[pl.ds(base, _BW)])

  return sc_kernel


_sc_kernel = _make_sc_kernel()


@jax.jit
def kernel(x, table, W, b):
  idx0 = x[:, 0].astype(jnp.int32)
  idx1 = x[:, 1].astype(jnp.int32)
  wb = jnp.concatenate(
      [W.reshape(-1).astype(jnp.float32),
       jnp.broadcast_to(b.astype(jnp.float32), (_L,))])
  out = _sc_kernel(table, idx0, idx1, wb)
  return out.reshape(_B, 1)

# --- scband reference (transcript-rebuilt; emitter-appended) ---
"""Pipeline reference for scband-bet-bot-5506148073870 (READ-ONLY COPY).

The authoritative reference and input builder live on the scoring server;
editing this copy changes nothing except your own understanding.
"""

import jax, jax.numpy as jnp
import numpy as np

NUM_CHARACTERS = 1000000
E_DIM = 512
BATCH = 16384
SEQ = 2

def setup_inputs(seed: int = 0) -> dict:
    key = jax.random.key(seed)
    k1, k2, k3, k4 = jax.random.split(key, 4)
    x = jax.random.randint(k1, (BATCH, SEQ), 0, NUM_CHARACTERS, dtype=jnp.int64 if jax.config.jax_enable_x64 else jnp.int32)
    table = jax.random.normal(k2, (NUM_CHARACTERS, E_DIM), dtype=jnp.float32)
    # Linear(e_dim*2 -> 1), PyTorch default init scale
    bound = 1.0 / np.sqrt(E_DIM * 2)
    W = jax.random.uniform(k3, (1, E_DIM * 2), dtype=jnp.float32, minval=-bound, maxval=bound)
    b = jax.random.uniform(k4, (1,), dtype=jnp.float32, minval=-bound, maxval=bound)
    return {"x": x, "table": table, "W": W, "b": b}

def reference(x, table, W, b):
    # Embedding lookup: [B, 2] -> [B, 2, 512]
    emb = jnp.take(table, x, axis=0)
    # Flatten: [B, 1024]
    flat = emb.reshape(emb.shape[0], -1)
    # Linear: [B, 1]
    out = flat @ W.T + b
    return out

if __name__ == "__main__":
    import jax
    _d = setup_inputs()
    print(jax.jit(kernel)(*tuple(_d.values())))

</pallas_src>

<mosaic_0001>
#map = affine_map<(d0, d1) -> (0, 0)>
#map1 = affine_map<(d0, d1) -> (0)>
module attributes {stable_mosaic.version = 14 : i64} {
  func.func @sc_kernel(%arg0: i32, %arg1: i32, %arg2: memref<1000000x512xf32, #tpu.memory_space<hbm>>, %arg3: memref<16384xi32, #tpu.memory_space<hbm>>, %arg4: memref<16384xi32, #tpu.memory_space<hbm>>, %arg5: memref<1040xf32, #tpu.memory_space<hbm>>, %arg6: memref<16384xf32, #tpu.memory_space<hbm>>, %arg7: memref<1040xf32, #tpu.memory_space<vmem>>, %arg8: memref<512xi32, #tpu.memory_space<vmem>>, %arg9: memref<512xi32, #tpu.memory_space<vmem>>, %arg10: memref<32x512xf32, #tpu.memory_space<vmem>>, %arg11: memref<32x512xf32, #tpu.memory_space<vmem>>, %arg12: memref<32x512xf32, #tpu.memory_space<vmem>>, %arg13: memref<32x512xf32, #tpu.memory_space<vmem>>, %arg14: memref<512xf32, #tpu.memory_space<vmem>>, %arg15: memref<!tpu.dma_semaphore, #tpu.memory_space<semaphore_mem>>, %arg16: memref<!tpu.dma_semaphore, #tpu.memory_space<semaphore_mem>>, %arg17: memref<!tpu.dma_semaphore, #tpu.memory_space<semaphore_mem>>, %arg18: memref<!tpu.dma_semaphore, #tpu.memory_space<semaphore_mem>>) attributes {dimension_semantics = [#tpu.dimension_semantics<core_parallel>, #tpu.dimension_semantics<subcore_parallel>], iteration_bounds = array<i64: 2, 16>, scalar_prefetch = 0 : i64, scratch_operands = 12 : i64, tpu.core_type = #tpu.core_type<sc_vector_subcore>, window_params = [{transform_indices = #map}, {transform_indices = #map1}, {transform_indices = #map1}, {transform_indices = #map1}, {transform_indices = #map1}]} {
    %mul3A = arith.constant 2 : i32
    %mul3A_0 = arith.muli %arg1, %mul3A : i32
    %add3A = arith.addi %mul3A_0, %arg0 : i32
    %mul3A_1 = arith.constant 512 : i32
    %mul3A_2 = arith.muli %add3A, %mul3A_1 : i32
    %multiple_of3A = tpu.assume_multiple %mul3A_2, 512 : i32
    tpu.enqueue_dma source(%arg5 : memref<1040xf32, #tpu.memory_space<hbm>>) target(%arg7 : memref<1040xf32, #tpu.memory_space<vmem>>) target_semaphore(%arg15 : memref<!tpu.dma_semaphore, #tpu.memory_space<semaphore_mem>>)
    %dma_start3A = tpu.memref_slice %arg3[%multiple_of3A] : memref<16384xi32, #tpu.memory_space<hbm>> -> memref<512xi32, #tpu.memory_space<hbm>>
    %dma_start3A_3 = tpu.memref_slice %arg3[%multiple_of3A] : memref<16384xi32, #tpu.memory_space<hbm>> -> memref<512xi32, #tpu.memory_space<hbm>>
    tpu.enqueue_dma source(%dma_start3A_3 : memref<512xi32, #tpu.memory_space<hbm>>) target(%arg8 : memref<512xi32, #tpu.memory_space<vmem>>) target_semaphore(%arg16 : memref<!tpu.dma_semaphore, #tpu.memory_space<semaphore_mem>>)
    %dma_start3A_4 = tpu.memref_slice %arg4[%multiple_of3A] : memref<16384xi32, #tpu.memory_space<hbm>> -> memref<512xi32, #tpu.memory_space<hbm>>
    %dma_start3A_5 = tpu.memref_slice %arg4[%multiple_of3A] : memref<16384xi32, #tpu.memory_space<hbm>> -> memref<512xi32, #tpu.memory_space<hbm>>
    tpu.enqueue_dma source(%dma_start3A_5 : memref<512xi32, #tpu.memory_space<hbm>>) target(%arg9 : memref<512xi32, #tpu.memory_space<vmem>>) target_semaphore(%arg17 : memref<!tpu.dma_semaphore, #tpu.memory_space<semaphore_mem>>)
    tpu.wait_dma2 semaphore(%arg15 : memref<!tpu.dma_semaphore, #tpu.memory_space<semaphore_mem>>) src(%arg5 : memref<1040xf32, #tpu.memory_space<hbm>>) dst(%arg7 : memref<1040xf32, #tpu.memory_space<vmem>>)
    %dma_wait3A = tpu.memref_slice %arg3[%multiple_of3A] : memref<16384xi32, #tpu.memory_space<hbm>> -> memref<512xi32, #tpu.memory_space<hbm>>
    %dma_wait3A_6 = tpu.memref_slice %arg3[%multiple_of3A] : memref<16384xi32, #tpu.memory_space<hbm>> -> memref<512xi32, #tpu.memory_space<hbm>>
    tpu.wait_dma2 semaphore(%arg16 : memref<!tpu.dma_semaphore, #tpu.memory_space<semaphore_mem>>) src(%dma_wait3A_6 : memref<512xi32, #tpu.memory_space<hbm>>) dst(%arg8 : memref<512xi32, #tpu.memory_space<vmem>>)
    %dma_wait3A_7 = tpu.memref_slice %arg4[%multiple_of3A] : memref<16384xi32, #tpu.memory_space<hbm>> -> memref<512xi32, #tpu.memory_space<hbm>>
    %dma_wait3A_8 = tpu.memref_slice %arg4[%multiple_of3A] : memref<16384xi32, #tpu.memory_space<hbm>> -> memref<512xi32, #tpu.memory_space<hbm>>
    tpu.wait_dma2 semaphore(%arg17 : memref<!tpu.dma_semaphore, #tpu.memory_space<semaphore_mem>>) src(%dma_wait3A_8 : memref<512xi32, #tpu.memory_space<hbm>>) dst(%arg9 : memref<512xi32, #tpu.memory_space<vmem>>)
    %get3A = arith.constant 1024 : index
    %get3A_9 = tpu.vector_load %arg7[%get3A] {strides = array<i32>} : memref<1040xf32, #tpu.memory_space<vmem>>, vector<16xf32>,
    %get3A_10 = vector.shape_cast %get3A_9 : vector<16xf32> to vector<16xf32>
    %multiple_of3A_11 = arith.constant 0 : i32
    %multiple_of3A_12 = tpu.assume_multiple %multiple_of3A_11, 32 : i32
    %dma_start3A_13 = tpu.memref_slice %arg8[%multiple_of3A_12] : memref<512xi32, #tpu.memory_space<vmem>> -> memref<32xi32, #tpu.memory_space<vmem>>
    %dma_start3A_14 = arith.constant 0 : i32
    %dma_start3A_15 = arith.constant 0 : i32
    %dma_start3A_16 = tpu.memref_slice %arg2[%dma_start3A_14, %dma_start3A_15] : memref<1000000x512xf32, #tpu.memory_space<hbm>> -> memref<1000000x512xf32, #tpu.memory_space<hbm>>
    tpu.enqueue_indirect_dma source(%dma_start3A_16 : memref<1000000x512xf32, #tpu.memory_space<hbm>>) target(%arg10 : memref<32x512xf32, #tpu.memory_space<vmem>>) offsets(%dma_start3A_13 : memref<32xi32, #tpu.memory_space<vmem>>) semaphore(%arg15 : memref<!tpu.dma_semaphore, #tpu.memory_space<semaphore_mem>>)
    %dma_start3A_17 = tpu.memref_slice %arg9[%multiple_of3A_12] : memref<512xi32, #tpu.memory_space<vmem>> -> memref<32xi32, #tpu.memory_space<vmem>>
    %dma_start3A_18 = arith.constant 0 : i32
    %dma_start3A_19 = arith.constant 0 : i32
    %dma_start3A_20 = tpu.memref_slice %arg2[%dma_start3A_18, %dma_start3A_19] : memref<1000000x512xf32, #tpu.memory_space<hbm>> -> memref<1000000x512xf32, #tpu.memory_space<hbm>>
    tpu.enqueue_indirect_dma source(%dma_start3A_20 : memref<1000000x512xf32, #tpu.memory_space<hbm>>) target(%arg11 : memref<32x512xf32, #tpu.memory_space<vmem>>) offsets(%dma_start3A_17 : memref<32xi32, #tpu.memory_space<vmem>>) semaphore(%arg16 : memref<!tpu.dma_semaphore, #tpu.memory_space<semaphore_mem>>)
    %multiple_of3A_21 = arith.constant 32 : i32
    %multiple_of3A_22 = tpu.assume_multiple %multiple_of3A_21, 32 : i32
    %dma_start3A_23 = tpu.memref_slice %arg8[%multiple_of3A_22] : memref<512xi32, #tpu.memory_space<vmem>> -> memref<32xi32, #tpu.memory_space<vmem>>
    %dma_start3A_24 = arith.constant 0 : i32
    %dma_start3A_25 = arith.constant 0 : i32
    %dma_start3A_26 = tpu.memref_slice %arg2[%dma_start3A_24, %dma_start3A_25] : memref<1000000x512xf32, #tpu.memory_space<hbm>> -> memref<1000000x512xf32, #tpu.memory_space<hbm>>
    tpu.enqueue_indirect_dma source(%dma_start3A_26 : memref<1000000x512xf32, #tpu.memory_space<hbm>>) target(%arg12 : memref<32x512xf32, #tpu.memory_space<vmem>>) offsets(%dma_start3A_23 : memref<32xi32, #tpu.memory_space<vmem>>) semaphore(%arg17 : memref<!tpu.dma_semaphore, #tpu.memory_space<semaphore_mem>>)
    %dma_start3A_27 = tpu.memref_slice %arg9[%multiple_of3A_22] : memref<512xi32, #tpu.memory_space<vmem>> -> memref<32xi32, #tpu.memory_space<vmem>>
    %dma_start3A_28 = arith.constant 0 : i32
    %dma_start3A_29 = arith.constant 0 : i32
    %dma_start3A_30 = tpu.memref_slice %arg2[%dma_start3A_28, %dma_start3A_29] : memref<1000000x512xf32, #tpu.memory_space<hbm>> -> memref<1000000x512xf32, #tpu.memory_space<hbm>>
    tpu.enqueue_indirect_dma source(%dma_start3A_30 : memref<1000000x512xf32, #tpu.memory_space<hbm>>) target(%arg13 : memref<32x512xf32, #tpu.memory_space<vmem>>) offsets(%dma_start3A_27 : memref<32xi32, #tpu.memory_space<vmem>>) semaphore(%arg18 : memref<!tpu.dma_semaphore, #tpu.memory_space<semaphore_mem>>)
    %scan3A = arith.constant 0 : i32
    %scan3A_31 = arith.constant 0 : i32
    %scan3A_32 = arith.constant 8 : i32
    %scan3A_33 = arith.addi %scan3A_31, %scan3A_32 : i32
    %scan3A_34 = arith.constant 1 : i32
    scf.for %scan3A_36 = %scan3A_31 to %scan3A_33 step %scan3A_34  : i32 {
      %mul3A_37 = arith.constant 2 : i32
      %mul3A_38 = arith.muli %mul3A_37, %scan3A_36 : i32
      %mul3A_39 = arith.constant 32 : i32
      %mul3A_40 = arith.muli %mul3A_38, %mul3A_39 : i32
      %multiple_of3A_41 = tpu.assume_multiple %mul3A_40, 32 : i32
      %dma_wait3A_42 = tpu.memref_slice %arg8[%multiple_of3A_41] : memref<512xi32, #tpu.memory_space<vmem>> -> memref<32xi32, #tpu.memory_space<vmem>>
      %dma_wait3A_43 = arith.constant 0 : i32
      %dma_wait3A_44 = arith.constant 0 : i32
      %dma_wait3A_45 = tpu.memref_slice %arg2[%dma_wait3A_43, %dma_wait3A_44] : memref<1000000x512xf32, #tpu.memory_space<hbm>> -> memref<1000000x512xf32, #tpu.memory_space<hbm>>
      tpu.wait_indirect_dma semaphore(%arg15 : memref<!tpu.dma_semaphore, #tpu.memory_space<semaphore_mem>>) src(%dma_wait3A_45 : memref<1000000x512xf32, #tpu.memory_space<hbm>>) dst(%arg10 : memref<32x512xf32, #tpu.memory_space<vmem>>)
      %dma_wait3A_46 = tpu.memref_slice %arg9[%multiple_of3A_41] : memref<512xi32, #tpu.memory_space<vmem>> -> memref<32xi32, #tpu.memory_space<vmem>>
      %dma_wait3A_47 = arith.constant 0 : i32
      %dma_wait3A_48 = arith.constant 0 : i32
      %dma_wait3A_49 = tpu.memref_slice %arg2[%dma_wait3A_47, %dma_wait3A_48] : memref<1000000x512xf32, #tpu.memory_space<hbm>> -> memref<1000000x512xf32, #tpu.memory_space<hbm>>
      tpu.wait_indirect_dma semaphore(%arg16 : memref<!tpu.dma_semaphore, #tpu.memory_space<semaphore_mem>>) src(%dma_wait3A_49 : memref<1000000x512xf32, #tpu.memory_space<hbm>>) dst(%arg11 : memref<32x512xf32, #tpu.memory_space<vmem>>)
      %mul3A_50 = arith.constant 32 : i32
      %mul3A_51 = arith.muli %mul3A_38, %mul3A_50 : i32
      %iota3A = tpu.iota {dimensions = array<i32: 0>} : vector<16xi32>
      %broadcast_in_dim3A = arith.constant 0.000000e+00 : f32
      %broadcast_in_dim3A_52 = vector.broadcast %broadcast_in_dim3A : f32 to vector<16xf32>
      %scan3A_53 = arith.constant 0 : i32
      %scan3A_54 = arith.constant 0 : i32
      %scan3A_55 = arith.constant 2 : i32
      %scan3A_56 = arith.addi %scan3A_54, %scan3A_55 : i32
      %scan3A_57 = arith.constant 1 : i32
      scf.for %scan3A_90 = %scan3A_54 to %scan3A_56 step %scan3A_57  : i32 {
        %parallel_loop3A = arith.constant 0 : i32
        %parallel_loop3A_91 = arith.constant 32 : i32
        %parallel_loop3A_92 = arith.constant 1 : i32
        %parallel_loop3A_93:16 = scf.for %parallel_loop3A_322 = %parallel_loop3A to %parallel_loop3A_91 step %parallel_loop3A_92 iter_args(%parallel_loop3A_323 = %broadcast_in_dim3A_52, %parallel_loop3A_324 = %broadcast_in_dim3A_52, %parallel_loop3A_325 = %broadcast_in_dim3A_52, %parallel_loop3A_326 = %broadcast_in_dim3A_52, %parallel_loop3A_327 = %broadcast_in_dim3A_52, %parallel_loop3A_328 = %broadcast_in_dim3A_52, %parallel_loop3A_329 = %broadcast_in_dim3A_52, %parallel_loop3A_330 = %broadcast_in_dim3A_52, %parallel_loop3A_331 = %broadcast_in_dim3A_52, %parallel_loop3A_332 = %broadcast_in_dim3A_52, %parallel_loop3A_333 = %broadcast_in_dim3A_52, %parallel_loop3A_334 = %broadcast_in_dim3A_52, %parallel_loop3A_335 = %broadcast_in_dim3A_52, %parallel_loop3A_336 = %broadcast_in_dim3A_52, %parallel_loop3A_337 = %broadcast_in_dim3A_52, %parallel_loop3A_338 = %broadcast_in_dim3A_52) -> (vector<16xf32>, vector<16xf32>, vector<16xf32>, vector<16xf32>, vector<16xf32>, vector<16xf32>, vector<16xf32>, vector<16xf32>, vector<16xf32>, vector<16xf32>, vector<16xf32>, vector<16xf32>, vector<16xf32>, vector<16xf32>, vector<16xf32>, vector<16xf32>)  : i32 {
          %parallel_loop3A_339 = arith.constant 16 : i32
          %parallel_loop3A_340 = arith.muli %parallel_loop3A_322, %parallel_loop3A_339 : i32
          %parallel_loop3A_341 = tpu.assume_multiple %parallel_loop3A_340, 16 : i32
          %parallel_loop3A_342 = arith.index_cast %parallel_loop3A_341 : i32 to index
          %parallel_loop3A_343 = tpu.vector_load %arg7[%parallel_loop3A_342] {strides = array<i32>} : memref<1040xf32, #tpu.memory_space<vmem>>, vector<16xf32>,
          %parallel_loop3A_344 = vector.shape_cast %parallel_loop3A_343 : vector<16xf32> to vector<16xf32>
          %parallel_loop3A_345 = arith.constant 512 : i32
          %parallel_loop3A_346 = arith.addi %parallel_loop3A_345, %parallel_loop3A_341 : i32
          %parallel_loop3A_347 = tpu.assume_multiple %parallel_loop3A_346, 16 : i32
          %parallel_loop3A_348 = arith.index_cast %parallel_loop3A_347 : i32 to index
          %parallel_loop3A_349 = tpu.vector_load %arg7[%parallel_loop3A_348] {strides = array<i32>} : memref<1040xf32, #tpu.memory_space<vmem>>, vector<16xf32>,
          %parallel_loop3A_350 = vector.shape_cast %parallel_loop3A_349 : vector<16xf32> to vector<16xf32>
          %parallel_loop3A_351 = arith.constant 16 : i32
          %parallel_loop3A_352 = arith.muli %scan3A_90, %parallel_loop3A_351 : i32
          %parallel_loop3A_353 = arith.constant 0 : i32
          %parallel_loop3A_354 = arith.addi %parallel_loop3A_352, %parallel_loop3A_353 : i32
          %parallel_loop3A_355 = arith.index_cast %parallel_loop3A_354 : i32 to index
          %parallel_loop3A_356 = arith.index_cast %parallel_loop3A_341 : i32 to index
          %parallel_loop3A_357 = tpu.vector_load %arg10[%parallel_loop3A_355, %parallel_loop3A_356] {strides = array<i32>} : memref<32x512xf32, #tpu.memory_space<vmem>>, vector<1x16xf32>,
          %parallel_loop3A_358 = vector.shape_cast %parallel_loop3A_357 : vector<1x16xf32> to vector<16xf32>
          %parallel_loop3A_359 = arith.mulf %parallel_loop3A_358, %parallel_loop3A_344 : vector<16xf32>
          %parallel_loop3A_360 = arith.addf %parallel_loop3A_323, %parallel_loop3A_359 : vector<16xf32>
          %parallel_loop3A_361 = arith.index_cast %parallel_loop3A_354 : i32 to index
          %parallel_loop3A_362 = arith.index_cast %parallel_loop3A_341 : i32 to index
          %parallel_loop3A_363 = tpu.vector_load %arg11[%parallel_loop3A_361, %parallel_loop3A_362] {strides = array<i32>} : memref<32x512xf32, #tpu.memory_space<vmem>>, vector<1x16xf32>,
          %parallel_loop3A_364 = vector.shape_cast %parallel_loop3A_363 : vector<1x16xf32> to vector<16xf32>
          %parallel_loop3A_365 = arith.mulf %parallel_loop3A_364, %parallel_loop3A_350 : vector<16xf32>
          %parallel_loop3A_366 = arith.addf %parallel_loop3A_360, %parallel_loop3A_365 : vector<16xf32>
          %parallel_loop3A_367 = arith.constant 16 : i32
          %parallel_loop3A_368 = arith.muli %scan3A_90, %parallel_loop3A_367 : i32
          %parallel_loop3A_369 = arith.constant 1 : i32
          %parallel_loop3A_370 = arith.addi %parallel_loop3A_368, %parallel_loop3A_369 : i32
          %parallel_loop3A_371 = arith.index_cast %parallel_loop3A_370 : i32 to index
          %parallel_loop3A_372 = arith.index_cast %parallel_loop3A_341 : i32 to index
          %parallel_loop3A_373 = tpu.vector_load %arg10[%parallel_loop3A_371, %parallel_loop3A_372] {strides = array<i32>} : memref<32x512xf32, #tpu.memory_space<vmem>>, vector<1x16xf32>,
          %parallel_loop3A_374 = vector.shape_cast %parallel_loop3A_373 : vector<1x16xf32> to vector<16xf32>
          %parallel_loop3A_375 = arith.mulf %parallel_loop3A_374, %parallel_loop3A_344 : vector<16xf32>
          %parallel_loop3A_376 = arith.addf %parallel_loop3A_324, %parallel_loop3A_375 : vector<16xf32>
          %parallel_loop3A_377 = arith.index_cast %parallel_loop3A_370 : i32 to index
          %parallel_loop3A_378 = arith.index_cast %parallel_loop3A_341 : i32 to index
          %parallel_loop3A_379 = tpu.vector_load %arg11[%parallel_loop3A_377, %parallel_loop3A_378] {strides = array<i32>} : memref<32x512xf32, #tpu.memory_space<vmem>>, vector<1x16xf32>,
          %parallel_loop3A_380 = vector.shape_cast %parallel_loop3A_379 : vector<1x16xf32> to vector<16xf32>
          %parallel_loop3A_381 = arith.mulf %parallel_loop3A_380, %parallel_loop3A_350 : vector<16xf32>
          %parallel_loop3A_382 = arith.addf %parallel_loop3A_376, %parallel_loop3A_381 : vector<16xf32>
          %parallel_loop3A_383 = arith.constant 16 : i32
          %parallel_loop3A_384 = arith.muli %scan3A_90, %parallel_loop3A_383 : i32
          %parallel_loop3A_385 = arith.constant 2 : i32
          %parallel_loop3A_386 = arith.addi %parallel_loop3A_384, %parallel_loop3A_385 : i32
          %parallel_loop3A_387 = arith.index_cast %parallel_loop3A_386 : i32 to index
          %parallel_loop3A_388 = arith.index_cast %parallel_loop3A_341 : i32 to index
          %parallel_loop3A_389 = tpu.vector_load %arg10[%parallel_loop3A_387, %parallel_loop3A_388] {strides = array<i32>} : memref<32x512xf32, #tpu.memory_space<vmem>>, vector<1x16xf32>,
          %parallel_loop3A_390 = vector.shape_cast %parallel_loop3A_389 : vector<1x16xf32> to vector<16xf32>
          %parallel_loop3A_391 = arith.mulf %parallel_loop3A_390, %parallel_loop3A_344 : vector<16xf32>
          %parallel_loop3A_392 = arith.addf %parallel_loop3A_325, %parallel_loop3A_391 : vector<16xf32>
          %parallel_loop3A_393 = arith.index_cast %parallel_loop3A_386 : i32 to index
          %parallel_loop3A_394 = arith.index_cast %parallel_loop3A_341 : i32 to index
          %parallel_loop3A_395 = tpu.vector_load %arg11[%parallel_loop3A_393, %parallel_loop3A_394] {strides = array<i32>} : memref<32x512xf32, #tpu.memory_space<vmem>>, vector<1x16xf32>,
          %parallel_loop3A_396 = vector.shape_cast %parallel_loop3A_395 : vector<1x16xf32> to vector<16xf32>
          %parallel_loop3A_397 = arith.mulf %parallel_loop3A_396, %parallel_loop3A_350 : vector<16xf32>
          %parallel_loop3A_398 = arith.addf %parallel_loop3A_392, %parallel_loop3A_397 : vector<16xf32>
          %parallel_loop3A_399 = arith.constant 16 : i32
          %parallel_loop3A_400 = arith.muli %scan3A_90, %parallel_loop3A_399 : i32
          %parallel_loop3A_401 = arith.constant 3 : i32
          %parallel_loop3A_402 = arith.addi %parallel_loop3A_400, %parallel_loop3A_401 : i32
          %parallel_loop3A_403 = arith.index_cast %parallel_loop3A_402 : i32 to index
          %parallel_loop3A_404 = arith.index_cast %parallel_loop3A_341 : i32 to index
          %parallel_loop3A_405 = tpu.vector_load %arg10[%parallel_loop3A_403, %parallel_loop3A_404] {strides = array<i32>} : memref<32x512xf32, #tpu.memory_space<vmem>>, vector<1x16xf32>,
          %parallel_loop3A_406 = vector.shape_cast %parallel_loop3A_405 : vector<1x16xf32> to vector<16xf32>
          %parallel_loop3A_407 = arith.mulf %parallel_loop3A_406, %parallel_loop3A_344 : vector<16xf32>
          %parallel_loop3A_408 = arith.addf %parallel_loop3A_326, %parallel_loop3A_407 : vector<16xf32>
          %parallel_loop3A_409 = arith.index_cast %parallel_loop3A_402 : i32 to index
          %parallel_loop3A_410 = arith.index_cast %parallel_loop3A_341 : i32 to index
          %parallel_loop3A_411 = tpu.vector_load %arg11[%parallel_loop3A_409, %parallel_loop3A_410] {strides = array<i32>} : memref<32x512xf32, #tpu.memory_space<vmem>>, vector<1x16xf32>,
          %parallel_loop3A_412 = vector.shape_cast %parallel_loop3A_411 : vector<1x16xf32> to vector<16xf32>
          %parallel_loop3A_413 = arith.mulf %parallel_loop3A_412, %parallel_loop3A_350 : vector<16xf32>
          %parallel_loop3A_414 = arith.addf %parallel_loop3A_408, %parallel_loop3A_413 : vector<16xf32>
          %parallel_loop3A_415 = arith.constant 16 : i32
          %parallel_loop3A_416 = arith.muli %scan3A_90, %parallel_loop3A_415 : i32
          %parallel_loop3A_417 = arith.constant 4 : i32
          %parallel_loop3A_418 = arith.addi %parallel_loop3A_416, %parallel_loop3A_417 : i32
          %parallel_loop3A_419 = arith.index_cast %parallel_loop3A_418 : i32 to index
          %parallel_loop3A_420 = arith.index_cast %parallel_loop3A_341 : i32 to index
          %parallel_loop3A_421 = tpu.vector_load %arg10[%parallel_loop3A_419, %parallel_loop3A_420] {strides = array<i32>} : memref<32x512xf32, #tpu.memory_space<vmem>>, vector<1x16xf32>,
          %parallel_loop3A_422 = vector.shape_cast %parallel_loop3A_421 : vector<1x16xf32> to vector<16xf32>
          %parallel_loop3A_423 = arith.mulf %parallel_loop3A_422, %parallel_loop3A_344 : vector<16xf32>
          %parallel_loop3A_424 = arith.addf %parallel_loop3A_327, %parallel_loop3A_423 : vector<16xf32>
          %parallel_loop3A_425 = arith.index_cast %parallel_loop3A_418 : i32 to index
          %parallel_loop3A_426 = arith.index_cast %parallel_loop3A_341 : i32 to index
          %parallel_loop3A_427 = tpu.vector_load %arg11[%parallel_loop3A_425, %parallel_loop3A_426] {strides = array<i32>} : memref<32x512xf32, #tpu.memory_space<vmem>>, vector<1x16xf32>,
          %parallel_loop3A_428 = vector.shape_cast %parallel_loop3A_427 : vector<1x16xf32> to vector<16xf32>
          %parallel_loop3A_429 = arith.mulf %parallel_loop3A_428, %parallel_loop3A_350 : vector<16xf32>
          %parallel_loop3A_430 = arith.addf %parallel_loop3A_424, %parallel_loop3A_429 : vector<16xf32>
          %parallel_loop3A_431 = arith.constant 16 : i32
          %parallel_loop3A_432 = arith.muli %scan3A_90, %parallel_loop3A_431 : i32
          %parallel_loop3A_433 = arith.constant 5 : i32
          %parallel_loop3A_434 = arith.addi %parallel_loop3A_432, %parallel_loop3A_433 : i32
          %parallel_loop3A_435 = arith.index_cast %parallel_loop3A_434 : i32 to index
          %parallel_loop3A_436 = arith.index_cast %parallel_loop3A_341 : i32 to index
          %parallel_loop3A_437 = tpu.vector_load %arg10[%parallel_loop3A_435, %parallel_loop3A_436] {strides = array<i32>} : memref<32x512xf32, #tpu.memory_space<vmem>>, vector<1x16xf32>,
          %parallel_loop3A_438 = vector.shape_cast %parallel_loop3A_437 : vector<1x16xf32> to vector<16xf32>
          %parallel_loop3A_439 = arith.mulf %parallel_loop3A_438, %parallel_loop3A_344 : vector<16xf32>
          %parallel_loop3A_440 = arith.addf %parallel_loop3A_328, %parallel_loop3A_439 : vector<16xf32>
          %parallel_loop3A_441 = arith.index_cast %parallel_loop3A_434 : i32 to index
          %parallel_loop3A_442 = arith.index_cast %parallel_loop3A_341 : i32 to index
          %parallel_loop3A_443 = tpu.vector_load %arg11[%parallel_loop3A_441, %parallel_loop3A_442] {strides = array<i32>} : memref<32x512xf32, #tpu.memory_space<vmem>>, vector<1x16xf32>,
          %parallel_loop3A_444 = vector.shape_cast %parallel_loop3A_443 : vector<1x16xf32> to vector<16xf32>
          %parallel_loop3A_445 = arith.mulf %parallel_loop3A_444, %parallel_loop3A_350 : vector<16xf32>
          %parallel_loop3A_446 = arith.addf %parallel_loop3A_440, %parallel_loop3A_445 : vector<16xf32>
          %parallel_loop3A_447 = arith.constant 16 : i32
          %parallel_loop3A_448 = arith.muli %scan3A_90, %parallel_loop3A_447 : i32
          %parallel_loop3A_449 = arith.constant 6 : i32
          %parallel_loop3A_450 = arith.addi %parallel_loop3A_448, %parallel_loop3A_449 : i32
          %parallel_loop3A_451 = arith.index_cast %parallel_loop3A_450 : i32 to index
          %parallel_loop3A_452 = arith.index_cast %parallel_loop3A_341 : i32 to index
          %parallel_loop3A_453 = tpu.vector_load %arg10[%parallel_loop3A_451, %parallel_loop3A_452] {strides = array<i32>} : memref<32x512xf32, #tpu.memory_space<vmem>>, vector<1x16xf32>,
          %parallel_loop3A_454 = vector.shape_cast %parallel_loop3A_453 : vector<1x16xf32> to vector<16xf32>
          %parallel_loop3A_455 = arith.mulf %parallel_loop3A_454, %parallel_loop3A_344 : vector<16xf32>
          %parallel_loop3A_456 = arith.addf %parallel_loop3A_329, %parallel_loop3A_455 : vector<16xf32>
          %parallel_loop3A_457 = arith.index_cast %parallel_loop3A_450 : i32 to index
          %parallel_loop3A_458 = arith.index_cast %parallel_loop3A_341 : i32 to index
          %parallel_loop3A_459 = tpu.vector_load %arg11[%parallel_loop3A_457, %parallel_loop3A_458] {strides = array<i32>} : memref<32x512xf32, #tpu.memory_space<vmem>>, vector<1x16xf32>,
          %parallel_loop3A_460 = vector.shape_cast %parallel_loop3A_459 : vector<1x16xf32> to vector<16xf32>
          %parallel_loop3A_461 = arith.mulf %parallel_loop3A_460, %parallel_loop3A_350 : vector<16xf32>
          %parallel_loop3A_462 = arith.addf %parallel_loop3A_456, %parallel_loop3A_461 : vector<16xf32>
          %parallel_loop3A_463 = arith.constant 16 : i32
          %parallel_loop3A_464 = arith.muli %scan3A_90, %parallel_loop3A_463 : i32
          %parallel_loop3A_465 = arith.constant 7 : i32
          %parallel_loop3A_466 = arith.addi %parallel_loop3A_464, %parallel_loop3A_465 : i32
          %parallel_loop3A_467 = arith.index_cast %parallel_loop3A_466 : i32 to index
          %parallel_loop3A_468 = arith.index_cast %parallel_loop3A_341 : i32 to index
          %parallel_loop3A_469 = tpu.vector_load %arg10[%parallel_loop3A_467, %parallel_loop3A_468] {strides = array<i32>} : memref<32x512xf32, #tpu.memory_space<vmem>>, vector<1x16xf32>,
          %parallel_loop3A_470 = vector.shape_cast %parallel_loop3A_469 : vector<1x16xf32> to vector<16xf32>
          %parallel_loop3A_471 = arith.mulf %parallel_loop3A_470, %parallel_loop3A_344 : vector<16xf32>
          %parallel_loop3A_472 = arith.addf %parallel_loop3A_330, %parallel_loop3A_471 : vector<16xf32>
          %parallel_loop3A_473 = arith.index_cast %parallel_loop3A_466 : i32 to index
          %parallel_loop3A_474 = arith.index_cast %parallel_loop3A_341 : i32 to index
          %parallel_loop3A_475 = tpu.vector_load %arg11[%parallel_loop3A_473, %parallel_loop3A_474] {strides = array<i32>} : memref<32x512xf32, #tpu.memory_space<vmem>>, vector<1x16xf32>,
          %parallel_loop3A_476 = vector.shape_cast %parallel_loop3A_475 : vector<1x16xf32> to vector<16xf32>
          %parallel_loop3A_477 = arith.mulf %parallel_loop3A_476, %parallel_loop3A_350 : vector<16xf32>
          %parallel_loop3A_478 = arith.addf %parallel_loop3A_472, %parallel_loop3A_477 : vector<16xf32>
          %parallel_loop3A_479 = arith.constant 16 : i32
          %parallel_loop3A_480 = arith.muli %scan3A_90, %parallel_loop3A_479 : i32
          %parallel_loop3A_481 = arith.constant 8 : i32
          %parallel_loop3A_482 = arith.addi %parallel_loop3A_480, %parallel_loop3A_481 : i32
          %parallel_loop3A_483 = arith.index_cast %parallel_loop3A_482 : i32 to index
          %parallel_loop3A_484 = arith.index_cast %parallel_loop3A_341 : i32 to index
          %parallel_loop3A_485 = tpu.vector_load %arg10[%parallel_loop3A_483, %parallel_loop3A_484] {strides = array<i32>} : memref<32x512xf32, #tpu.memory_space<vmem>>, vector<1x16xf32>,
          %parallel_loop3A_486 = vector.shape_cast %parallel_loop3A_485 : vector<1x16xf32> to vector<16xf32>
          %parallel_loop3A_487 = arith.mulf %parallel_loop3A_486, %parallel_loop3A_344 : vector<16xf32>
          %parallel_loop3A_488 = arith.addf %parallel_loop3A_331, %parallel_loop3A_487 : vector<16xf32>
          %parallel_loop3A_489 = arith.index_cast %parallel_loop3A_482 : i32 to index
          %parallel_loop3A_490 = arith.index_cast %parallel_loop3A_341 : i32 to index
          %parallel_loop3A_491 = tpu.vector_load %arg11[%parallel_loop3A_489, %parallel_loop3A_490] {strides = array<i32>} : memref<32x512xf32, #tpu.memory_space<vmem>>, vector<1x16xf32>,
          %parallel_loop3A_492 = vector.shape_cast %parallel_loop3A_491 : vector<1x16xf32> to vector<16xf32>
          %parallel_loop3A_493 = arith.mulf %parallel_loop3A_492, %parallel_loop3A_350 : vector<16xf32>
          %parallel_loop3A_494 = arith.addf %parallel_loop3A_488, %parallel_loop3A_493 : vector<16xf32>
          %parallel_loop3A_495 = arith.constant 16 : i32
          %parallel_loop3A_496 = arith.muli %scan3A_90, %parallel_loop3A_495 : i32
          %parallel_loop3A_497 = arith.constant 9 : i32
          %parallel_loop3A_498 = arith.addi %parallel_loop3A_496, %parallel_loop3A_497 : i32
          %parallel_loop3A_499 = arith.index_cast %parallel_loop3A_498 : i32 to index
          %parallel_loop3A_500 = arith.index_cast %parallel_loop3A_341 : i32 to index
          %parallel_loop3A_501 = tpu.vector_load %arg10[%parallel_loop3A_499, %parallel_loop3A_500] {strides = array<i32>} : memref<32x512xf32, #tpu.memory_space<vmem>>, vector<1x16xf32>,
          %parallel_loop3A_502 = vector.shape_cast %parallel_loop3A_501 : vector<1x16xf32> to vector<16xf32>
          %parallel_loop3A_503 = arith.mulf %parallel_loop3A_502, %parallel_loop3A_344 : vector<16xf32>
          %parallel_loop3A_504 = arith.addf %parallel_loop3A_332, %parallel_loop3A_503 : vector<16xf32>
          %parallel_loop3A_505 = arith.index_cast %parallel_loop3A_498 : i32 to index
          %parallel_loop3A_506 = arith.index_cast %parallel_loop3A_341 : i32 to index
          %parallel_loop3A_507 = tpu.vector_load %arg11[%parallel_loop3A_505, %parallel_loop3A_506] {strides = array<i32>} : memref<32x512xf32, #tpu.memory_space<vmem>>, vector<1x16xf32>,
          %parallel_loop3A_508 = vector.shape_cast %parallel_loop3A_507 : vector<1x16xf32> to vector<16xf32>
          %parallel_loop3A_509 = arith.mulf %parallel_loop3A_508, %parallel_loop3A_350 : vector<16xf32>
          %parallel_loop3A_510 = arith.addf %parallel_loop3A_504, %parallel_loop3A_509 : vector<16xf32>
          %parallel_loop3A_511 = arith.constant 16 : i32
          %parallel_loop3A_512 = arith.muli %scan3A_90, %parallel_loop3A_511 : i32
          %parallel_loop3A_513 = arith.constant 10 : i32
          %parallel_loop3A_514 = arith.addi %parallel_loop3A_512, %parallel_loop3A_513 : i32
          %parallel_loop3A_515 = arith.index_cast %parallel_loop3A_514 : i32 to index
          %parallel_loop3A_516 = arith.index_cast %parallel_loop3A_341 : i32 to index
          %parallel_loop3A_517 = tpu.vector_load %arg10[%parallel_loop3A_515, %parallel_loop3A_516] {strides = array<i32>} : memref<32x512xf32, #tpu.memory_space<vmem>>, vector<1x16xf32>,
          %parallel_loop3A_518 = vector.shape_cast %parallel_loop3A_517 : vector<1x16xf32> to vector<16xf32>
          %parallel_loop3A_519 = arith.mulf %parallel_loop3A_518, %parallel_loop3A_344 : vector<16xf32>
          %parallel_loop3A_520 = arith.addf %parallel_loop3A_333, %parallel_loop3A_519 : vector<16xf32>
          %parallel_loop3A_521 = arith.index_cast %parallel_loop3A_514 : i32 to index
          %parallel_loop3A_522 = arith.index_cast %parallel_loop3A_341 : i32 to index
          %parallel_loop3A_523 = tpu.vector_load %arg11[%parallel_loop3A_521, %parallel_loop3A_522] {strides = array<i32>} : memref<32x512xf32, #tpu.memory_space<vmem>>, vector<1x16xf32>,
          %parallel_loop3A_524 = vector.shape_cast %parallel_loop3A_523 : vector<1x16xf32> to vector<16xf32>
          %parallel_loop3A_525 = arith.mulf %parallel_loop3A_524, %parallel_loop3A_350 : vector<16xf32>
          %parallel_loop3A_526 = arith.addf %parallel_loop3A_520, %parallel_loop3A_525 : vector<16xf32>
          %parallel_loop3A_527 = arith.constant 16 : i32
          %parallel_loop3A_528 = arith.muli %scan3A_90, %parallel_loop3A_527 : i32
          %parallel_loop3A_529 = arith.constant 11 : i32
          %parallel_loop3A_530 = arith.addi %parallel_loop3A_528, %parallel_loop3A_529 : i32
          %parallel_loop3A_531 = arith.index_cast %parallel_loop3A_530 : i32 to index
          %parallel_loop3A_532 = arith.index_cast %parallel_loop3A_341 : i32 to index
          %parallel_loop3A_533 = tpu.vector_load %arg10[%parallel_loop3A_531, %parallel_loop3A_532] {strides = array<i32>} : memref<32x512xf32, #tpu.memory_space<vmem>>, vector<1x16xf32>,
          %parallel_loop3A_534 = vector.shape_cast %parallel_loop3A_533 : vector<1x16xf32> to vector<16xf32>
          %parallel_loop3A_535 = arith.mulf %parallel_loop3A_534, %parallel_loop3A_344 : vector<16xf32>
          %parallel_loop3A_536 = arith.addf %parallel_loop3A_334, %parallel_loop3A_535 : vector<16xf32>
          %parallel_loop3A_537 = arith.index_cast %parallel_loop3A_530 : i32 to index
          %parallel_loop3A_538 = arith.index_cast %parallel_loop3A_341 : i32 to index
          %parallel_loop3A_539 = tpu.vector_load %arg11[%parallel_loop3A_537, %parallel_loop3A_538] {strides = array<i32>} : memref<32x512xf32, #tpu.memory_space<vmem>>, vector<1x16xf32>,
          %parallel_loop3A_540 = vector.shape_cast %parallel_loop3A_539 : vector<1x16xf32> to vector<16xf32>
          %parallel_loop3A_541 = arith.mulf %parallel_loop3A_540, %parallel_loop3A_350 : vector<16xf32>
          %parallel_loop3A_542 = arith.addf %parallel_loop3A_536, %parallel_loop3A_541 : vector<16xf32>
          %parallel_loop3A_543 = arith.constant 16 : i32
          %parallel_loop3A_544 = arith.muli %scan3A_90, %parallel_loop3A_543 : i32
          %parallel_loop3A_545 = arith.constant 12 : i32
          %parallel_loop3A_546 = arith.addi %parallel_loop3A_544, %parallel_loop3A_545 : i32
          %parallel_loop3A_547 = arith.index_cast %parallel_loop3A_546 : i32 to index
          %parallel_loop3A_548 = arith.index_cast %parallel_loop3A_341 : i32 to index
          %parallel_loop3A_549 = tpu.vector_load %arg10[%parallel_loop3A_547, %parallel_loop3A_548] {strides = array<i32>} : memref<32x512xf32, #tpu.memory_space<vmem>>, vector<1x16xf32>,
          %parallel_loop3A_550 = vector.shape_cast %parallel_loop3A_549 : vector<1x16xf32> to vector<16xf32>
          %parallel_loop3A_551 = arith.mulf %parallel_loop3A_550, %parallel_loop3A_344 : vector<16xf32>
          %parallel_loop3A_552 = arith.addf %parallel_loop3A_335, %parallel_loop3A_551 : vector<16xf32>
          %parallel_loop3A_553 = arith.index_cast %parallel_loop3A_546 : i32 to index
          %parallel_loop3A_554 = arith.index_cast %parallel_loop3A_341 : i32 to index
          %parallel_loop3A_555 = tpu.vector_load %arg11[%parallel_loop3A_553, %parallel_loop3A_554] {strides = array<i32>} : memref<32x512xf32, #tpu.memory_space<vmem>>, vector<1x16xf32>,
          %parallel_loop3A_556 = vector.shape_cast %parallel_loop3A_555 : vector<1x16xf32> to vector<16xf32>
          %parallel_loop3A_557 = arith.mulf %parallel_loop3A_556, %parallel_loop3A_350 : vector<16xf32>
          %parallel_loop3A_558 = arith.addf %parallel_loop3A_552, %parallel_loop3A_557 : vector<16xf32>
          %parallel_loop3A_559 = arith.constant 16 : i32
          %parallel_loop3A_560 = arith.muli %scan3A_90, %parallel_loop3A_559 : i32
          %parallel_loop3A_561 = arith.constant 13 : i32
          %parallel_loop3A_562 = arith.addi %parallel_loop3A_560, %parallel_loop3A_561 : i32
          %parallel_loop3A_563 = arith.index_cast %parallel_loop3A_562 : i32 to index
          %parallel_loop3A_564 = arith.index_cast %parallel_loop3A_341 : i32 to index
          %parallel_loop3A_565 = tpu.vector_load %arg10[%parallel_loop3A_563, %parallel_loop3A_564] {strides = array<i32>} : memref<32x512xf32, #tpu.memory_space<vmem>>, vector<1x16xf32>,
          %parallel_loop3A_566 = vector.shape_cast %parallel_loop3A_565 : vector<1x16xf32> to vector<16xf32>
          %parallel_loop3A_567 = arith.mulf %parallel_loop3A_566, %parallel_loop3A_344 : vector<16xf32>
          %parallel_loop3A_568 = arith.addf %parallel_loop3A_336, %parallel_loop3A_567 : vector<16xf32>
          %parallel_loop3A_569 = arith.index_cast %parallel_loop3A_562 : i32 to index
          %parallel_loop3A_570 = arith.index_cast %parallel_loop3A_341 : i32 to index
          %parallel_loop3A_571 = tpu.vector_load %arg11[%parallel_loop3A_569, %parallel_loop3A_570] {strides = array<i32>} : memref<32x512xf32, #tpu.memory_space<vmem>>, vector<1x16xf32>,
          %parallel_loop3A_572 = vector.shape_cast %parallel_loop3A_571 : vector<1x16xf32> to vector<16xf32>
          %parallel_loop3A_573 = arith.mulf %parallel_loop3A_572, %parallel_loop3A_350 : vector<16xf32>
          %parallel_loop3A_574 = arith.addf %parallel_loop3A_568, %parallel_loop3A_573 : vector<16xf32>
          %parallel_loop3A_575 = arith.constant 16 : i32
          %parallel_loop3A_576 = arith.muli %scan3A_90, %parallel_loop3A_575 : i32
          %parallel_loop3A_577 = arith.constant 14 : i32
          %parallel_loop3A_578 = arith.addi %parallel_loop3A_576, %parallel_loop3A_577 : i32
          %parallel_loop3A_579 = arith.index_cast %parallel_loop3A_578 : i32 to index
          %parallel_loop3A_580 = arith.index_cast %parallel_loop3A_341 : i32 to index
          %parallel_loop3A_581 = tpu.vector_load %arg10[%parallel_loop3A_579, %parallel_loop3A_580] {strides = array<i32>} : memref<32x512xf32, #tpu.memory_space<vmem>>, vector<1x16xf32>,
          %parallel_loop3A_582 = vector.shape_cast %parallel_loop3A_581 : vector<1x16xf32> to vector<16xf32>
          %parallel_loop3A_583 = arith.mulf %parallel_loop3A_582, %parallel_loop3A_344 : vector<16xf32>
          %parallel_loop3A_584 = arith.addf %parallel_loop3A_337, %parallel_loop3A_583 : vector<16xf32>
          %parallel_loop3A_585 = arith.index_cast %parallel_loop3A_578 : i32 to index
          %parallel_loop3A_586 = arith.index_cast %parallel_loop3A_341 : i32 to index
          %parallel_loop3A_587 = tpu.vector_load %arg11[%parallel_loop3A_585, %parallel_loop3A_586] {strides = array<i32>} : memref<32x512xf32, #tpu.memory_space<vmem>>, vector<1x16xf32>,
          %parallel_loop3A_588 = vector.shape_cast %parallel_loop3A_587 : vector<1x16xf32> to vector<16xf32>
          %parallel_loop3A_589 = arith.mulf %parallel_loop3A_588, %parallel_loop3A_350 : vector<16xf32>
          %parallel_loop3A_590 = arith.addf %parallel_loop3A_584, %parallel_loop3A_589 : vector<16xf32>
          %parallel_loop3A_591 = arith.constant 16 : i32
          %parallel_loop3A_592 = arith.muli %scan3A_90, %parallel_loop3A_591 : i32
          %parallel_loop3A_593 = arith.constant 15 : i32
          %parallel_loop3A_594 = arith.addi %parallel_loop3A_592, %parallel_loop3A_593 : i32
          %parallel_loop3A_595 = arith.index_cast %parallel_loop3A_594 : i32 to index
          %parallel_loop3A_596 = arith.index_cast %parallel_loop3A_341 : i32 to index
          %parallel_loop3A_597 = tpu.vector_load %arg10[%parallel_loop3A_595, %parallel_loop3A_596] {strides = array<i32>} : memref<32x512xf32, #tpu.memory_space<vmem>>, vector<1x16xf32>,
          %parallel_loop3A_598 = vector.shape_cast %parallel_loop3A_597 : vector<1x16xf32> to vector<16xf32>
          %parallel_loop3A_599 = arith.mulf %parallel_loop3A_598, %parallel_loop3A_344 : vector<16xf32>
          %parallel_loop3A_600 = arith.addf %parallel_loop3A_338, %parallel_loop3A_599 : vector<16xf32>
          %parallel_loop3A_601 = arith.index_cast %parallel_loop3A_594 : i32 to index
          %parallel_loop3A_602 = arith.index_cast %parallel_loop3A_341 : i32 to index
          %parallel_loop3A_603 = tpu.vector_load %arg11[%parallel_loop3A_601, %parallel_loop3A_602] {strides = array<i32>} : memref<32x512xf32, #tpu.memory_space<vmem>>, vector<1x16xf32>,
          %parallel_loop3A_604 = vector.shape_cast %parallel_loop3A_603 : vector<1x16xf32> to vector<16xf32>
          %parallel_loop3A_605 = arith.mulf %parallel_loop3A_604, %parallel_loop3A_350 : vector<16xf32>
          %parallel_loop3A_606 = arith.addf %parallel_loop3A_600, %parallel_loop3A_605 : vector<16xf32>
          scf.yield %parallel_loop3A_366, %parallel_loop3A_382, %parallel_loop3A_398, %parallel_loop3A_414, %parallel_loop3A_430, %parallel_loop3A_446, %parallel_loop3A_462, %parallel_loop3A_478, %parallel_loop3A_494, %parallel_loop3A_510, %parallel_loop3A_526, %parallel_loop3A_542, %parallel_loop3A_558, %parallel_loop3A_574, %parallel_loop3A_590, %parallel_loop3A_606 : vector<16xf32>, vector<16xf32>, vector<16xf32>, vector<16xf32>, vector<16xf32>, vector<16xf32>, vector<16xf32>, vector<16xf32>, vector<16xf32>, vector<16xf32>, vector<16xf32>, vector<16xf32>, vector<16xf32>, vector<16xf32>, vector<16xf32>, vector<16xf32>
        } {sc.loop_unroll_factor = 8 : i64, sc.parallel_access}
        %and3A = arith.constant 1 : i32
        %and3A_94 = vector.broadcast %and3A : i32 to vector<16xi32>
        %and3A_95 = arith.andi %iota3A, %and3A_94 : vector<16xi32>
        %eq3A = arith.constant 0 : i32
        %eq3A_96 = vector.broadcast %eq3A : i32 to vector<16xi32>
        %eq3A_97 = arith.cmpi eq, %and3A_95, %eq3A_96 : vector<16xi32>
        %select_n3A = arith.select %eq3A_97, %parallel_loop3A_93#0, %parallel_loop3A_93#1 : vector<16xi1>, vector<16xf32>
        %select_n3A_98 = arith.select %eq3A_97, %parallel_loop3A_93#1, %parallel_loop3A_93#0 : vector<16xi1>, vector<16xf32>
        %xor3A = arith.constant 1 : i32
        %xor3A_99 = vector.broadcast %xor3A : i32 to vector<16xi32>
        %xor3A_100 = arith.xori %iota3A, %xor3A_99 : vector<16xi32>
        %broadcast_in_dim3A_101 = vector.shape_cast %xor3A_100 : vector<16xi32> to vector<16x1xi32>
        %gather3A = vector.shape_cast %broadcast_in_dim3A_101 : vector<16x1xi32> to vector<16xi32>
        %gather3A_102 = tpu.dynamic_gather %select_n3A_98[%gather3A] in [0] : vector<16xf32>, vector<16xi32> -> vector<16xf32>
        %add3A_103 = arith.addf %select_n3A, %gather3A_102 : vector<16xf32>
        %and3A_104 = arith.constant 1 : i32
        %and3A_105 = vector.broadcast %and3A_104 : i32 to vector<16xi32>
        %and3A_106 = arith.andi %iota3A, %and3A_105 : vector<16xi32>
        %eq3A_107 = arith.constant 0 : i32
        %eq3A_108 = vector.broadcast %eq3A_107 : i32 to vector<16xi32>
        %eq3A_109 = arith.cmpi eq, %and3A_106, %eq3A_108 : vector<16xi32>
        %select_n3A_110 = arith.select %eq3A_109, %parallel_loop3A_93#2, %parallel_loop3A_93#3 : vector<16xi1>, vector<16xf32>
        %select_n3A_111 = arith.select %eq3A_109, %parallel_loop3A_93#3, %parallel_loop3A_93#2 : vector<16xi1>, vector<16xf32>
        %xor3A_112 = arith.constant 1 : i32
        %xor3A_113 = vector.broadcast %xor3A_112 : i32 to vector<16xi32>
        %xor3A_114 = arith.xori %iota3A, %xor3A_113 : vector<16xi32>
        %broadcast_in_dim3A_115 = vector.shape_cast %xor3A_114 : vector<16xi32> to vector<16x1xi32>
        %gather3A_116 = vector.shape_cast %broadcast_in_dim3A_115 : vector<16x1xi32> to vector<16xi32>
        %gather3A_117 = tpu.dynamic_gather %select_n3A_111[%gather3A_116] in [0] : vector<16xf32>, vector<16xi32> -> vector<16xf32>
        %add3A_118 = arith.addf %select_n3A_110, %gather3A_117 : vector<16xf32>
        %and3A_119 = arith.constant 1 : i32
        %and3A_120 = vector.broadcast %and3A_119 : i32 to vector<16xi32>
        %and3A_121 = arith.andi %iota3A, %and3A_120 : vector<16xi32>
        %eq3A_122 = arith.constant 0 : i32
        %eq3A_123 = vector.broadcast %eq3A_122 : i32 to vector<16xi32>
        %eq3A_124 = arith.cmpi eq, %and3A_121, %eq3A_123 : vector<16xi32>
        %select_n3A_125 = arith.select %eq3A_124, %parallel_loop3A_93#4, %parallel_loop3A_93#5 : vector<16xi1>, vector<16xf32>
        %select_n3A_126 = arith.select %eq3A_124, %parallel_loop3A_93#5, %parallel_loop3A_93#4 : vector<16xi1>, vector<16xf32>
        %xor3A_127 = arith.constant 1 : i32
        %xor3A_128 = vector.broadcast %xor3A_127 : i32 to vector<16xi32>
        %xor3A_129 = arith.xori %iota3A, %xor3A_128 : vector<16xi32>
        %broadcast_in_dim3A_130 = vector.shape_cast %xor3A_129 : vector<16xi32> to vector<16x1xi32>
        %gather3A_131 = vector.shape_cast %broadcast_in_dim3A_130 : vector<16x1xi32> to vector<16xi32>
        %gather3A_132 = tpu.dynamic_gather %select_n3A_126[%gather3A_131] in [0] : vector<16xf32>, vector<16xi32> -> vector<16xf32>
        %add3A_133 = arith.addf %select_n3A_125, %gather3A_132 : vector<16xf32>
        %and3A_134 = arith.constant 1 : i32
        %and3A_135 = vector.broadcast %and3A_134 : i32 to vector<16xi32>
        %and3A_136 = arith.andi %iota3A, %and3A_135 : vector<16xi32>
        %eq3A_137 = arith.constant 0 : i32
        %eq3A_138 = vector.broadcast %eq3A_137 : i32 to vector<16xi32>
        %eq3A_139 = arith.cmpi eq, %and3A_136, %eq3A_138 : vector<16xi32>
        %select_n3A_140 = arith.select %eq3A_139, %parallel_loop3A_93#6, %parallel_loop3A_93#7 : vector<16xi1>, vector<16xf32>
        %select_n3A_141 = arith.select %eq3A_139, %parallel_loop3A_93#7, %parallel_loop3A_93#6 : vector<16xi1>, vector<16xf32>
        %xor3A_142 = arith.constant 1 : i32
        %xor3A_143 = vector.broadcast %xor3A_142 : i32 to vector<16xi32>
        %xor3A_144 = arith.xori %iota3A, %xor3A_143 : vector<16xi32>
        %broadcast_in_dim3A_145 = vector.shape_cast %xor3A_144 : vector<16xi32> to vector<16x1xi32>
        %gather3A_146 = vector.shape_cast %broadcast_in_dim3A_145 : vector<16x1xi32> to vector<16xi32>
        %gather3A_147 = tpu.dynamic_gather %select_n3A_141[%gather3A_146] in [0] : vector<16xf32>, vector<16xi32> -> vector<16xf32>
        %add3A_148 = arith.addf %select_n3A_140, %gather3A_147 : vector<16xf32>
        %and3A_149 = arith.constant 1 : i32
        %and3A_150 = vector.broadcast %and3A_149 : i32 to vector<16xi32>
        %and3A_151 = arith.andi %iota3A, %and3A_150 : vector<16xi32>
        %eq3A_152 = arith.constant 0 : i32
        %eq3A_153 = vector.broadcast %eq3A_152 : i32 to vector<16xi32>
        %eq3A_154 = arith.cmpi eq, %and3A_151, %eq3A_153 : vector<16xi32>
        %select_n3A_155 = arith.select %eq3A_154, %parallel_loop3A_93#8, %parallel_loop3A_93#9 : vector<16xi1>, vector<16xf32>
        %select_n3A_156 = arith.select %eq3A_154, %parallel_loop3A_93#9, %parallel_loop3A_93#8 : vector<16xi1>, vector<16xf32>
        %xor3A_157 = arith.constant 1 : i32
        %xor3A_158 = vector.broadcast %xor3A_157 : i32 to vector<16xi32>
        %xor3A_159 = arith.xori %iota3A, %xor3A_158 : vector<16xi32>
        %broadcast_in_dim3A_160 = vector.shape_cast %xor3A_159 : vector<16xi32> to vector<16x1xi32>
        %gather3A_161 = vector.shape_cast %broadcast_in_dim3A_160 : vector<16x1xi32> to vector<16xi32>
        %gather3A_162 = tpu.dynamic_gather %select_n3A_156[%gather3A_161] in [0] : vector<16xf32>, vector<16xi32> -> vector<16xf32>
        %add3A_163 = arith.addf %select_n3A_155, %gather3A_162 : vector<16xf32>
        %and3A_164 = arith.constant 1 : i32
        %and3A_165 = vector.broadcast %and3A_164 : i32 to vector<16xi32>
        %and3A_166 = arith.andi %iota3A, %and3A_165 : vector<16xi32>
        %eq3A_167 = arith.constant 0 : i32
        %eq3A_168 = vector.broadcast %eq3A_167 : i32 to vector<16xi32>
        %eq3A_169 = arith.cmpi eq, %and3A_166, %eq3A_168 : vector<16xi32>
        %select_n3A_170 = arith.select %eq3A_169, %parallel_loop3A_93#10, %parallel_loop3A_93#11 : vector<16xi1>, vector<16xf32>
        %select_n3A_171 = arith.select %eq3A_169, %parallel_loop3A_93#11, %parallel_loop3A_93#10 : vector<16xi1>, vector<16xf32>
        %xor3A_172 = arith.constant 1 : i32
        %xor3A_173 = vector.broadcast %xor3A_172 : i32 to vector<16xi32>
        %xor3A_174 = arith.xori %iota3A, %xor3A_173 : vector<16xi32>
        %broadcast_in_dim3A_175 = vector.shape_cast %xor3A_174 : vector<16xi32> to vector<16x1xi32>
        %gather3A_176 = vector.shape_cast %broadcast_in_dim3A_175 : vector<16x1xi32> to vector<16xi32>
        %gather3A_177 = tpu.dynamic_gather %select_n3A_171[%gather3A_176] in [0] : vector<16xf32>, vector<16xi32> -> vector<16xf32>
        %add3A_178 = arith.addf %select_n3A_170, %gather3A_177 : vector<16xf32>
        %and3A_179 = arith.constant 1 : i32
        %and3A_180 = vector.broadcast %and3A_179 : i32 to vector<16xi32>
        %and3A_181 = arith.andi %iota3A, %and3A_180 : vector<16xi32>
        %eq3A_182 = arith.constant 0 : i32
        %eq3A_183 = vector.broadcast %eq3A_182 : i32 to vector<16xi32>
        %eq3A_184 = arith.cmpi eq, %and3A_181, %eq3A_183 : vector<16xi32>
        %select_n3A_185 = arith.select %eq3A_184, %parallel_loop3A_93#12, %parallel_loop3A_93#13 : vector<16xi1>, vector<16xf32>
        %select_n3A_186 = arith.select %eq3A_184, %parallel_loop3A_93#13, %parallel_loop3A_93#12 : vector<16xi1>, vector<16xf32>
        %xor3A_187 = arith.constant 1 : i32
        %xor3A_188 = vector.broadcast %xor3A_187 : i32 to vector<16xi32>
        %xor3A_189 = arith.xori %iota3A, %xor3A_188 : vector<16xi32>
        %broadcast_in_dim3A_190 = vector.shape_cast %xor3A_189 : vector<16xi32> to vector<16x1xi32>
        %gather3A_191 = vector.shape_cast %broadcast_in_dim3A_190 : vector<16x1xi32> to vector<16xi32>
        %gather3A_192 = tpu.dynamic_gather %select_n3A_186[%gather3A_191] in [0] : vector<16xf32>, vector<16xi32> -> vector<16xf32>
        %add3A_193 = arith.addf %select_n3A_185, %gather3A_192 : vector<16xf32>
        %and3A_194 = arith.constant 1 : i32
        %and3A_195 = vector.broadcast %and3A_194 : i32 to vector<16xi32>
        %and3A_196 = arith.andi %iota3A, %and3A_195 : vector<16xi32>
        %eq3A_197 = arith.constant 0 : i32
        %eq3A_198 = vector.broadcast %eq3A_197 : i32 to vector<16xi32>
        %eq3A_199 = arith.cmpi eq, %and3A_196, %eq3A_198 : vector<16xi32>
        %select_n3A_200 = arith.select %eq3A_199, %parallel_loop3A_93#14, %parallel_loop3A_93#15 : vector<16xi1>, vector<16xf32>
        %select_n3A_201 = arith.select %eq3A_199, %parallel_loop3A_93#15, %parallel_loop3A_93#14 : vector<16xi1>, vector<16xf32>
        %xor3A_202 = arith.constant 1 : i32
        %xor3A_203 = vector.broadcast %xor3A_202 : i32 to vector<16xi32>
        %xor3A_204 = arith.xori %iota3A, %xor3A_203 : vector<16xi32>
        %broadcast_in_dim3A_205 = vector.shape_cast %xor3A_204 : vector<16xi32> to vector<16x1xi32>
        %gather3A_206 = vector.shape_cast %broadcast_in_dim3A_205 : vector<16x1xi32> to vector<16xi32>
        %gather3A_207 = tpu.dynamic_gather %select_n3A_201[%gather3A_206] in [0] : vector<16xf32>, vector<16xi32> -> vector<16xf32>
        %add3A_208 = arith.addf %select_n3A_200, %gather3A_207 : vector<16xf32>
        %and3A_209 = arith.constant 2 : i32
        %and3A_210 = vector.broadcast %and3A_209 : i32 to vector<16xi32>
        %and3A_211 = arith.andi %iota3A, %and3A_210 : vector<16xi32>
        %eq3A_212 = arith.constant 0 : i32
        %eq3A_213 = vector.broadcast %eq3A_212 : i32 to vector<16xi32>
        %eq3A_214 = arith.cmpi eq, %and3A_211, %eq3A_213 : vector<16xi32>
        %select_n3A_215 = arith.select %eq3A_214, %add3A_103, %add3A_118 : vector<16xi1>, vector<16xf32>
        %select_n3A_216 = arith.select %eq3A_214, %add3A_118, %add3A_103 : vector<16xi1>, vector<16xf32>
        %xor3A_217 = arith.constant 2 : i32
        %xor3A_218 = vector.broadcast %xor3A_217 : i32 to vector<16xi32>
        %xor3A_219 = arith.xori %iota3A, %xor3A_218 : vector<16xi32>
        %broadcast_in_dim3A_220 = vector.shape_cast %xor3A_219 : vector<16xi32> to vector<16x1xi32>
        %gather3A_221 = vector.shape_cast %broadcast_in_dim3A_220 : vector<16x1xi32> to vector<16xi32>
        %gather3A_222 = tpu.dynamic_gather %select_n3A_216[%gather3A_221] in [0] : vector<16xf32>, vector<16xi32> -> vector<16xf32>
        %add3A_223 = arith.addf %select_n3A_215, %gather3A_222 : vector<16xf32>
        %and3A_224 = arith.constant 2 : i32
        %and3A_225 = vector.broadcast %and3A_224 : i32 to vector<16xi32>
        %and3A_226 = arith.andi %iota3A, %and3A_225 : vector<16xi32>
        %eq3A_227 = arith.constant 0 : i32
        %eq3A_228 = vector.broadcast %eq3A_227 : i32 to vector<16xi32>
        %eq3A_229 = arith.cmpi eq, %and3A_226, %eq3A_228 : vector<16xi32>
        %select_n3A_230 = arith.select %eq3A_229, %add3A_133, %add3A_148 : vector<16xi1>, vector<16xf32>
        %select_n3A_231 = arith.select %eq3A_229, %add3A_148, %add3A_133 : vector<16xi1>, vector<16xf32>
        %xor3A_232 = arith.constant 2 : i32
        %xor3A_233 = vector.broadcast %xor3A_232 : i32 to vector<16xi32>
        %xor3A_234 = arith.xori %iota3A, %xor3A_233 : vector<16xi32>
        %broadcast_in_dim3A_235 = vector.shape_cast %xor3A_234 : vector<16xi32> to vector<16x1xi32>
        %gather3A_236 = vector.shape_cast %broadcast_in_dim3A_235 : vector<16x1xi32> to vector<16xi32>
        %gather3A_237 = tpu.dynamic_gather %select_n3A_231[%gather3A_236] in [0] : vector<16xf32>, vector<16xi32> -> vector<16xf32>
        %add3A_238 = arith.addf %select_n3A_230, %gather3A_237 : vector<16xf32>
        %and3A_239 = arith.constant 2 : i32
        %and3A_240 = vector.broadcast %and3A_239 : i32 to vector<16xi32>
        %and3A_241 = arith.andi %iota3A, %and3A_240 : vector<16xi32>
        %eq3A_242 = arith.constant 0 : i32
        %eq3A_243 = vector.broadcast %eq3A_242 : i32 to vector<16xi32>
        %eq3A_244 = arith.cmpi eq, %and3A_241, %eq3A_243 : vector<16xi32>
        %select_n3A_245 = arith.select %eq3A_244, %add3A_163, %add3A_178 : vector<16xi1>, vector<16xf32>
        %select_n3A_246 = arith.select %eq3A_244, %add3A_178, %add3A_163 : vector<16xi1>, vector<16xf32>
        %xor3A_247 = arith.constant 2 : i32
        %xor3A_248 = vector.broadcast %xor3A_247 : i32 to vector<16xi32>
        %xor3A_249 = arith.xori %iota3A, %xor3A_248 : vector<16xi32>
        %broadcast_in_dim3A_250 = vector.shape_cast %xor3A_249 : vector<16xi32> to vector<16x1xi32>
        %gather3A_251 = vector.shape_cast %broadcast_in_dim3A_250 : vector<16x1xi32> to vector<16xi32>
        %gather3A_252 = tpu.dynamic_gather %select_n3A_246[%gather3A_251] in [0] : vector<16xf32>, vector<16xi32> -> vector<16xf32>
        %add3A_253 = arith.addf %select_n3A_245, %gather3A_252 : vector<16xf32>
        %and3A_254 = arith.constant 2 : i32
        %and3A_255 = vector.broadcast %and3A_254 : i32 to vector<16xi32>
        %and3A_256 = arith.andi %iota3A, %and3A_255 : vector<16xi32>
        %eq3A_257 = arith.constant 0 : i32
        %eq3A_258 = vector.broadcast %eq3A_257 : i32 to vector<16xi32>
        %eq3A_259 = arith.cmpi eq, %and3A_256, %eq3A_258 : vector<16xi32>
        %select_n3A_260 = arith.select %eq3A_259, %add3A_193, %add3A_208 : vector<16xi1>, vector<16xf32>
        %select_n3A_261 = arith.select %eq3A_259, %add3A_208, %add3A_193 : vector<16xi1>, vector<16xf32>
        %xor3A_262 = arith.constant 2 : i32
        %xor3A_263 = vector.broadcast %xor3A_262 : i32 to vector<16xi32>
        %xor3A_264 = arith.xori %iota3A, %xor3A_263 : vector<16xi32>
        %broadcast_in_dim3A_265 = vector.shape_cast %xor3A_264 : vector<16xi32> to vector<16x1xi32>
        %gather3A_266 = vector.shape_cast %broadcast_in_dim3A_265 : vector<16x1xi32> to vector<16xi32>
        %gather3A_267 = tpu.dynamic_gather %select_n3A_261[%gather3A_266] in [0] : vector<16xf32>, vector<16xi32> -> vector<16xf32>
        %add3A_268 = arith.addf %select_n3A_260, %gather3A_267 : vector<16xf32>
        %and3A_269 = arith.constant 4 : i32
        %and3A_270 = vector.broadcast %and3A_269 : i32 to vector<16xi32>
        %and3A_271 = arith.andi %iota3A, %and3A_270 : vector<16xi32>
        %eq3A_272 = arith.constant 0 : i32
        %eq3A_273 = vector.broadcast %eq3A_272 : i32 to vector<16xi32>
        %eq3A_274 = arith.cmpi eq, %and3A_271, %eq3A_273 : vector<16xi32>
        %select_n3A_275 = arith.select %eq3A_274, %add3A_223, %add3A_238 : vector<16xi1>, vector<16xf32>
        %select_n3A_276 = arith.select %eq3A_274, %add3A_238, %add3A_223 : vector<16xi1>, vector<16xf32>
        %xor3A_277 = arith.constant 4 : i32
        %xor3A_278 = vector.broadcast %xor3A_277 : i32 to vector<16xi32>
        %xor3A_279 = arith.xori %iota3A, %xor3A_278 : vector<16xi32>
        %broadcast_in_dim3A_280 = vector.shape_cast %xor3A_279 : vector<16xi32> to vector<16x1xi32>
        %gather3A_281 = vector.shape_cast %broadcast_in_dim3A_280 : vector<16x1xi32> to vector<16xi32>
        %gather3A_282 = tpu.dynamic_gather %select_n3A_276[%gather3A_281] in [0] : vector<16xf32>, vector<16xi32> -> vector<16xf32>
        %add3A_283 = arith.addf %select_n3A_275, %gather3A_282 : vector<16xf32>
        %and3A_284 = arith.constant 4 : i32
        %and3A_285 = vector.broadcast %and3A_284 : i32 to vector<16xi32>
        %and3A_286 = arith.andi %iota3A, %and3A_285 : vector<16xi32>
        %eq3A_287 = arith.constant 0 : i32
        %eq3A_288 = vector.broadcast %eq3A_287 : i32 to vector<16xi32>
        %eq3A_289 = arith.cmpi eq, %and3A_286, %eq3A_288 : vector<16xi32>
        %select_n3A_290 = arith.select %eq3A_289, %add3A_253, %add3A_268 : vector<16xi1>, vector<16xf32>
        %select_n3A_291 = arith.select %eq3A_289, %add3A_268, %add3A_253 : vector<16xi1>, vector<16xf32>
        %xor3A_292 = arith.constant 4 : i32
        %xor3A_293 = vector.broadcast %xor3A_292 : i32 to vector<16xi32>
        %xor3A_294 = arith.xori %iota3A, %xor3A_293 : vector<16xi32>
        %broadcast_in_dim3A_295 = vector.shape_cast %xor3A_294 : vector<16xi32> to vector<16x1xi32>
        %gather3A_296 = vector.shape_cast %broadcast_in_dim3A_295 : vector<16x1xi32> to vector<16xi32>
        %gather3A_297 = tpu.dynamic_gather %select_n3A_291[%gather3A_296] in [0] : vector<16xf32>, vector<16xi32> -> vector<16xf32>
        %add3A_298 = arith.addf %select_n3A_290, %gather3A_297 : vector<16xf32>
        %and3A_299 = arith.constant 8 : i32
        %and3A_300 = vector.broadcast %and3A_299 : i32 to vector<16xi32>
        %and3A_301 = arith.andi %iota3A, %and3A_300 : vector<16xi32>
        %eq3A_302 = arith.constant 0 : i32
        %eq3A_303 = vector.broadcast %eq3A_302 : i32 to vector<16xi32>
        %eq3A_304 = arith.cmpi eq, %and3A_301, %eq3A_303 : vector<16xi32>
        %select_n3A_305 = arith.select %eq3A_304, %add3A_283, %add3A_298 : vector<16xi1>, vector<16xf32>
        %select_n3A_306 = arith.select %eq3A_304, %add3A_298, %add3A_283 : vector<16xi1>, vector<16xf32>
        %xor3A_307 = arith.constant 8 : i32
        %xor3A_308 = vector.broadcast %xor3A_307 : i32 to vector<16xi32>
        %xor3A_309 = arith.xori %iota3A, %xor3A_308 : vector<16xi32>
        %broadcast_in_dim3A_310 = vector.shape_cast %xor3A_309 : vector<16xi32> to vector<16x1xi32>
        %gather3A_311 = vector.shape_cast %broadcast_in_dim3A_310 : vector<16x1xi32> to vector<16xi32>
        %gather3A_312 = tpu.dynamic_gather %select_n3A_306[%gather3A_311] in [0] : vector<16xf32>, vector<16xi32> -> vector<16xf32>
        %add3A_313 = arith.addf %select_n3A_305, %gather3A_312 : vector<16xf32>
        %add3A_314 = arith.addf %add3A_313, %get3A_10 : vector<16xf32>
        %mul3A_315 = arith.constant 16 : i32
        %mul3A_316 = arith.muli %scan3A_90, %mul3A_315 : i32
        %add3A_317 = arith.addi %mul3A_51, %mul3A_316 : i32
        %multiple_of3A_318 = tpu.assume_multiple %add3A_317, 16 : i32
        %swap3A = arith.index_cast %multiple_of3A_318 : i32 to index
        %swap3A_319 = tpu.vector_load %arg14[%swap3A] {strides = array<i32>} : memref<512xf32, #tpu.memory_space<vmem>>, vector<16xf32>,
        %swap3A_320 = vector.shape_cast %swap3A_319 : vector<16xf32> to vector<16xf32>
        %swap3A_321 = vector.shape_cast %add3A_314 : vector<16xf32> to vector<16xf32>
        tpu.vector_store %arg14[%swap3A], %swap3A_321 {strides = array<i32>} : memref<512xf32, #tpu.memory_space<vmem>>, vector<16xf32>,
      }
      %scan3A_58 = arith.constant 2 : i32
      %lt3A = arith.constant 7 : i32
      %lt3A_59 = arith.cmpi slt, %scan3A_36, %lt3A : i32
      %convert_element_type3A = arith.extui %lt3A_59 : i1 to i32
      %cond3A = arith.constant 0 : i32
      %cond3A_60 = arith.cmpi ne, %convert_element_type3A, %cond3A : i32
      scf.if %cond3A_60 {
        %add3A_90 = arith.constant 2 : i32
        %add3A_91 = arith.addi %mul3A_38, %add3A_90 : i32
        %mul3A_92 = arith.constant 32 : i32
        %mul3A_93 = arith.muli %add3A_91, %mul3A_92 : i32
        %multiple_of3A_94 = tpu.assume_multiple %mul3A_93, 32 : i32
        %dma_start3A_95 = tpu.memref_slice %arg8[%multiple_of3A_94] : memref<512xi32, #tpu.memory_space<vmem>> -> memref<32xi32, #tpu.memory_space<vmem>>
        %dma_start3A_96 = arith.constant 0 : i32
        %dma_start3A_97 = arith.constant 0 : i32
        %dma_start3A_98 = tpu.memref_slice %arg2[%dma_start3A_96, %dma_start3A_97] : memref<1000000x512xf32, #tpu.memory_space<hbm>> -> memref<1000000x512xf32, #tpu.memory_space<hbm>>
        tpu.enqueue_indirect_dma source(%dma_start3A_98 : memref<1000000x512xf32, #tpu.memory_space<hbm>>) target(%arg10 : memref<32x512xf32, #tpu.memory_space<vmem>>) offsets(%dma_start3A_95 : memref<32xi32, #tpu.memory_space<vmem>>) semaphore(%arg15 : memref<!tpu.dma_semaphore, #tpu.memory_space<semaphore_mem>>)
        %dma_start3A_99 = tpu.memref_slice %arg9[%multiple_of3A_94] : memref<512xi32, #tpu.memory_space<vmem>> -> memref<32xi32, #tpu.memory_space<vmem>>
        %dma_start3A_100 = arith.constant 0 : i32
        %dma_start3A_101 = arith.constant 0 : i32
        %dma_start3A_102 = tpu.memref_slice %arg2[%dma_start3A_100, %dma_start3A_101] : memref<1000000x512xf32, #tpu.memory_space<hbm>> -> memref<1000000x512xf32, #tpu.memory_space<hbm>>
        tpu.enqueue_indirect_dma source(%dma_start3A_102 : memref<1000000x512xf32, #tpu.memory_space<hbm>>) target(%arg11 : memref<32x512xf32, #tpu.memory_space<vmem>>) offsets(%dma_start3A_99 : memref<32xi32, #tpu.memory_space<vmem>>) semaphore(%arg16 : memref<!tpu.dma_semaphore, #tpu.memory_space<semaphore_mem>>)
      } else {
      }
      %add3A_61 = arith.constant 1 : i32
      %add3A_62 = arith.addi %mul3A_38, %add3A_61 : i32
      %mul3A_63 = arith.constant 32 : i32
      %mul3A_64 = arith.muli %add3A_62, %mul3A_63 : i32
      %multiple_of3A_65 = tpu.assume_multiple %mul3A_64, 32 : i32
      %dma_wait3A_66 = tpu.memref_slice %arg8[%multiple_of3A_65] : memref<512xi32, #tpu.memory_space<vmem>> -> memref<32xi32, #tpu.memory_space<vmem>>
      %dma_wait3A_67 = arith.constant 0 : i32
      %dma_wait3A_68 = arith.constant 0 : i32
      %dma_wait3A_69 = tpu.memref_slice %arg2[%dma_wait3A_67, %dma_wait3A_68] : memref<1000000x512xf32, #tpu.memory_space<hbm>> -> memref<1000000x512xf32, #tpu.memory_space<hbm>>
      tpu.wait_indirect_dma semaphore(%arg17 : memref<!tpu.dma_semaphore, #tpu.memory_space<semaphore_mem>>) src(%dma_wait3A_69 : memref<1000000x512xf32, #tpu.memory_space<hbm>>) dst(%arg12 : memref<32x512xf32, #tpu.memory_space<vmem>>)
      %dma_wait3A_70 = tpu.memref_slice %arg9[%multiple_of3A_65] : memref<512xi32, #tpu.memory_space<vmem>> -> memref<32xi32, #tpu.memory_space<vmem>>
      %dma_wait3A_71 = arith.constant 0 : i32
      %dma_wait3A_72 = arith.constant 0 : i32
      %dma_wait3A_73 = tpu.memref_slice %arg2[%dma_wait3A_71, %dma_wait3A_72] : memref<1000000x512xf32, #tpu.memory_space<hbm>> -> memref<1000000x512xf32, #tpu.memory_space<hbm>>
      tpu.wait_indirect_dma semaphore(%arg18 : memref<!tpu.dma_semaphore, #tpu.memory_space<semaphore_mem>>) src(%dma_wait3A_73 : memref<1000000x512xf32, #tpu.memory_space<hbm>>) dst(%arg13 : memref<32x512xf32, #tpu.memory_space<vmem>>)
      %mul3A_74 = arith.constant 32 : i32
      %mul3A_75 = arith.muli %add3A_62, %mul3A_74 : i32
      %iota3A_76 = tpu.iota {dimensions = array<i32: 0>} : vector<16xi32>
      %broadcast_in_dim3A_77 = arith.constant 0.000000e+00 : f32
      %broadcast_in_dim3A_78 = vector.broadcast %broadcast_in_dim3A_77 : f32 to vector<16xf32>
      %scan3A_79 = arith.constant 0 : i32
      %scan3A_80 = arith.constant 0 : i32
      %scan3A_81 = arith.constant 2 : i32
      %scan3A_82 = arith.addi %scan3A_80, %scan3A_81 : i32
      %scan3A_83 = arith.constant 1 : i32
      scf.for %scan3A_90 = %scan3A_80 to %scan3A_82 step %scan3A_83  : i32 {
        %parallel_loop3A = arith.constant 0 : i32
        %parallel_loop3A_91 = arith.constant 32 : i32
        %parallel_loop3A_92 = arith.constant 1 : i32
        %parallel_loop3A_93:16 = scf.for %parallel_loop3A_322 = %parallel_loop3A to %parallel_loop3A_91 step %parallel_loop3A_92 iter_args(%parallel_loop3A_323 = %broadcast_in_dim3A_78, %parallel_loop3A_324 = %broadcast_in_dim3A_78, %parallel_loop3A_325 = %broadcast_in_dim3A_78, %parallel_loop3A_326 = %broadcast_in_dim3A_78, %parallel_loop3A_327 = %broadcast_in_dim3A_78, %parallel_loop3A_328 = %broadcast_in_dim3A_78, %parallel_loop3A_329 = %broadcast_in_dim3A_78, %parallel_loop3A_330 = %broadcast_in_dim3A_78, %parallel_loop3A_331 = %broadcast_in_dim3A_78, %parallel_loop3A_332 = %broadcast_in_dim3A_78, %parallel_loop3A_333 = %broadcast_in_dim3A_78, %parallel_loop3A_334 = %broadcast_in_dim3A_78, %parallel_loop3A_335 = %broadcast_in_dim3A_78, %parallel_loop3A_336 = %broadcast_in_dim3A_78, %parallel_loop3A_337 = %broadcast_in_dim3A_78, %parallel_loop3A_338 = %broadcast_in_dim3A_78) -> (vector<16xf32>, vector<16xf32>, vector<16xf32>, vector<16xf32>, vector<16xf32>, vector<16xf32>, vector<16xf32>, vector<16xf32>, vector<16xf32>, vector<16xf32>, vector<16xf32>, vector<16xf32>, vector<16xf32>, vector<16xf32>, vector<16xf32>, vector<16xf32>)  : i32 {
          %parallel_loop3A_339 = arith.constant 16 : i32
          %parallel_loop3A_340 = arith.muli %parallel_loop3A_322, %parallel_loop3A_339 : i32
          %parallel_loop3A_341 = tpu.assume_multiple %parallel_loop3A_340, 16 : i32
          %parallel_loop3A_342 = arith.index_cast %parallel_loop3A_341 : i32 to index
          %parallel_loop3A_343 = tpu.vector_load %arg7[%parallel_loop3A_342] {strides = array<i32>} : memref<1040xf32, #tpu.memory_space<vmem>>, vector<16xf32>,
          %parallel_loop3A_344 = vector.shape_cast %parallel_loop3A_343 : vector<16xf32> to vector<16xf32>
          %parallel_loop3A_345 = arith.constant 512 : i32
          %parallel_loop3A_346 = arith.addi %parallel_loop3A_345, %parallel_loop3A_341 : i32
          %parallel_loop3A_347 = tpu.assume_multiple %parallel_loop3A_346, 16 : i32
          %parallel_loop3A_348 = arith.index_cast %parallel_loop3A_347 : i32 to index
          %parallel_loop3A_349 = tpu.vector_load %arg7[%parallel_loop3A_348] {strides = array<i32>} : memref<1040xf32, #tpu.memory_space<vmem>>, vector<16xf32>,
          %parallel_loop3A_350 = vector.shape_cast %parallel_loop3A_349 : vector<16xf32> to vector<16xf32>
          %parallel_loop3A_351 = arith.constant 16 : i32
          %parallel_loop3A_352 = arith.muli %scan3A_90, %parallel_loop3A_351 : i32
          %parallel_loop3A_353 = arith.constant 0 : i32
          %parallel_loop3A_354 = arith.addi %parallel_loop3A_352, %parallel_loop3A_353 : i32
          %parallel_loop3A_355 = arith.index_cast %parallel_loop3A_354 : i32 to index
          %parallel_loop3A_356 = arith.index_cast %parallel_loop3A_341 : i32 to index
          %parallel_loop3A_357 = tpu.vector_load %arg12[%parallel_loop3A_355, %parallel_loop3A_356] {strides = array<i32>} : memref<32x512xf32, #tpu.memory_space<vmem>>, vector<1x16xf32>,
          %parallel_loop3A_358 = vector.shape_cast %parallel_loop3A_357 : vector<1x16xf32> to vector<16xf32>
          %parallel_loop3A_359 = arith.mulf %parallel_loop3A_358, %parallel_loop3A_344 : vector<16xf32>
          %parallel_loop3A_360 = arith.addf %parallel_loop3A_323, %parallel_loop3A_359 : vector<16xf32>
          %parallel_loop3A_361 = arith.index_cast %parallel_loop3A_354 : i32 to index
          %parallel_loop3A_362 = arith.index_cast %parallel_loop3A_341 : i32 to index
          %parallel_loop3A_363 = tpu.vector_load %arg13[%parallel_loop3A_361, %parallel_loop3A_362] {strides = array<i32>} : memref<32x512xf32, #tpu.memory_space<vmem>>, vector<1x16xf32>,
          %parallel_loop3A_364 = vector.shape_cast %parallel_loop3A_363 : vector<1x16xf32> to vector<16xf32>
          %parallel_loop3A_365 = arith.mulf %parallel_loop3A_364, %parallel_loop3A_350 : vector<16xf32>
          %parallel_loop3A_366 = arith.addf %parallel_loop3A_360, %parallel_loop3A_365 : vector<16xf32>
          %parallel_loop3A_367 = arith.constant 16 : i32
          %parallel_loop3A_368 = arith.muli %scan3A_90, %parallel_loop3A_367 : i32
          %parallel_loop3A_369 = arith.constant 1 : i32
          %parallel_loop3A_370 = arith.addi %parallel_loop3A_368, %parallel_loop3A_369 : i32
          %parallel_loop3A_371 = arith.index_cast %parallel_loop3A_370 : i32 to index
          %parallel_loop3A_372 = arith.index_cast %parallel_loop3A_341 : i32 to index
          %parallel_loop3A_373 = tpu.vector_load %arg12[%parallel_loop3A_371, %parallel_loop3A_372] {strides = array<i32>} : memref<32x512xf32, #tpu.memory_space<vmem>>, vector<1x16xf32>,
          %parallel_loop3A_374 = vector.shape_cast %parallel_loop3A_373 : vector<1x16xf32> to vector<16xf32>
          %parallel_loop3A_375 = arith.mulf %parallel_loop3A_374, %parallel_loop3A_344 : vector<16xf32>
          %parallel_loop3A_376 = arith.addf %parallel_loop3A_324, %parallel_loop3A_375 : vector<16xf32>
          %parallel_loop3A_377 = arith.index_cast %parallel_loop3A_370 : i32 to index
          %parallel_loop3A_378 = arith.index_cast %parallel_loop3A_341 : i32 to index
          %parallel_loop3A_379 = tpu.vector_load %arg13[%parallel_loop3A_377, %parallel_loop3A_378] {strides = array<i32>} : memref<32x512xf32, #tpu.memory_space<vmem>>, vector<1x16xf32>,
          %parallel_loop3A_380 = vector.shape_cast %parallel_loop3A_379 : vector<1x16xf32> to vector<16xf32>
          %parallel_loop3A_381 = arith.mulf %parallel_loop3A_380, %parallel_loop3A_350 : vector<16xf32>
          %parallel_loop3A_382 = arith.addf %parallel_loop3A_376, %parallel_loop3A_381 : vector<16xf32>
          %parallel_loop3A_383 = arith.constant 16 : i32
          %parallel_loop3A_384 = arith.muli %scan3A_90, %parallel_loop3A_383 : i32
          %parallel_loop3A_385 = arith.constant 2 : i32
          %parallel_loop3A_386 = arith.addi %parallel_loop3A_384, %parallel_loop3A_385 : i32
          %parallel_loop3A_387 = arith.index_cast %parallel_loop3A_386 : i32 to index
          %parallel_loop3A_388 = arith.index_cast %parallel_loop3A_341 : i32 to index
          %parallel_loop3A_389 = tpu.vector_load %arg12[%parallel_loop3A_387, %parallel_loop3A_388] {strides = array<i32>} : memref<32x512xf32, #tpu.memory_space<vmem>>, vector<1x16xf32>,
          %parallel_loop3A_390 = vector.shape_cast %parallel_loop3A_389 : vector<1x16xf32> to vector<16xf32>
          %parallel_loop3A_391 = arith.mulf %parallel_loop3A_390, %parallel_loop3A_344 : vector<16xf32>
          %parallel_loop3A_392 = arith.addf %parallel_loop3A_325, %parallel_loop3A_391 : vector<16xf32>
          %parallel_loop3A_393 = arith.index_cast %parallel_loop3A_386 : i32 to index
          %parallel_loop3A_394 = arith.index_cast %parallel_loop3A_341 : i32 to index
          %parallel_loop3A_395 = tpu.vector_load %arg13[%parallel_loop3A_393, %parallel_loop3A_394] {strides = array<i32>} : memref<32x512xf32, #tpu.memory_space<vmem>>, vector<1x16xf32>,
          %parallel_loop3A_396 = vector.shape_cast %parallel_loop3A_395 : vector<1x16xf32> to vector<16xf32>
          %parallel_loop3A_397 = arith.mulf %parallel_loop3A_396, %parallel_loop3A_350 : vector<16xf32>
          %parallel_loop3A_398 = arith.addf %parallel_loop3A_392, %parallel_loop3A_397 : vector<16xf32>
          %parallel_loop3A_399 = arith.constant 16 : i32
          %parallel_loop3A_400 = arith.muli %scan3A_90, %parallel_loop3A_399 : i32
          %parallel_loop3A_401 = arith.constant 3 : i32
          %parallel_loop3A_402 = arith.addi %parallel_loop3A_400, %parallel_loop3A_401 : i32
          %parallel_loop3A_403 = arith.index_cast %parallel_loop3A_402 : i32 to index
          %parallel_loop3A_404 = arith.index_cast %parallel_loop3A_341 : i32 to index
          %parallel_loop3A_405 = tpu.vector_load %arg12[%parallel_loop3A_403, %parallel_loop3A_404] {strides = array<i32>} : memref<32x512xf32, #tpu.memory_space<vmem>>, vector<1x16xf32>,
          %parallel_loop3A_406 = vector.shape_cast %parallel_loop3A_405 : vector<1x16xf32> to vector<16xf32>
          %parallel_loop3A_407 = arith.mulf %parallel_loop3A_406, %parallel_loop3A_344 : vector<16xf32>
          %parallel_loop3A_408 = arith.addf %parallel_loop3A_326, %parallel_loop3A_407 : vector<16xf32>
          %parallel_loop3A_409 = arith.index_cast %parallel_loop3A_402 : i32 to index
          %parallel_loop3A_410 = arith.index_cast %parallel_loop3A_341 : i32 to index
          %parallel_loop3A_411 = tpu.vector_load %arg13[%parallel_loop3A_409, %parallel_loop3A_410] {strides = array<i32>} : memref<32x512xf32, #tpu.memory_space<vmem>>, vector<1x16xf32>,
          %parallel_loop3A_412 = vector.shape_cast %parallel_loop3A_411 : vector<1x16xf32> to vector<16xf32>
          %parallel_loop3A_413 = arith.mulf %parallel_loop3A_412, %parallel_loop3A_350 : vector<16xf32>
          %parallel_loop3A_414 = arith.addf %parallel_loop3A_408, %parallel_loop3A_413 : vector<16xf32>
          %parallel_loop3A_415 = arith.constant 16 : i32
          %parallel_loop3A_416 = arith.muli %scan3A_90, %parallel_loop3A_415 : i32
          %parallel_loop3A_417 = arith.constant 4 : i32
          %parallel_loop3A_418 = arith.addi %parallel_loop3A_416, %parallel_loop3A_417 : i32
          %parallel_loop3A_419 = arith.index_cast %parallel_loop3A_418 : i32 to index
          %parallel_loop3A_420 = arith.index_cast %parallel_loop3A_341 : i32 to index
          %parallel_loop3A_421 = tpu.vector_load %arg12[%parallel_loop3A_419, %parallel_loop3A_420] {strides = array<i32>} : memref<32x512xf32, #tpu.memory_space<vmem>>, vector<1x16xf32>,
          %parallel_loop3A_422 = vector.shape_cast %parallel_loop3A_421 : vector<1x16xf32> to vector<16xf32>
          %parallel_loop3A_423 = arith.mulf %parallel_loop3A_422, %parallel_loop3A_344 : vector<16xf32>
          %parallel_loop3A_424 = arith.addf %parallel_loop3A_327, %parallel_loop3A_423 : vector<16xf32>
          %parallel_loop3A_425 = arith.index_cast %parallel_loop3A_418 : i32 to index
          %parallel_loop3A_426 = arith.index_cast %parallel_loop3A_341 : i32 to index
          %parallel_loop3A_427 = tpu.vector_load %arg13[%parallel_loop3A_425, %parallel_loop3A_426] {strides = array<i32>} : memref<32x512xf32, #tpu.memory_space<vmem>>, vector<1x16xf32>,
          %parallel_loop3A_428 = vector.shape_cast %parallel_loop3A_427 : vector<1x16xf32> to vector<16xf32>
          %parallel_loop3A_429 = arith.mulf %parallel_loop3A_428, %parallel_loop3A_350 : vector<16xf32>
          %parallel_loop3A_430 = arith.addf %parallel_loop3A_424, %parallel_loop3A_429 : vector<16xf32>
          %parallel_loop3A_431 = arith.constant 16 : i32
          %parallel_loop3A_432 = arith.muli %scan3A_90, %parallel_loop3A_431 : i32
          %parallel_loop3A_433 = arith.constant 5 : i32
          %parallel_loop3A_434 = arith.addi %parallel_loop3A_432, %parallel_loop3A_433 : i32
          %parallel_loop3A_435 = arith.index_cast %parallel_loop3A_434 : i32 to index
          %parallel_loop3A_436 = arith.index_cast %parallel_loop3A_341 : i32 to index
          %parallel_loop3A_437 = tpu.vector_load %arg12[%parallel_loop3A_435, %parallel_loop3A_436] {strides = array<i32>} : memref<32x512xf32, #tpu.memory_space<vmem>>, vector<1x16xf32>,
          %parallel_loop3A_438 = vector.shape_cast %parallel_loop3A_437 : vector<1x16xf32> to vector<16xf32>
          %parallel_loop3A_439 = arith.mulf %parallel_loop3A_438, %parallel_loop3A_344 : vector<16xf32>
          %parallel_loop3A_440 = arith.addf %parallel_loop3A_328, %parallel_loop3A_439 : vector<16xf32>
          %parallel_loop3A_441 = arith.index_cast %parallel_loop3A_434 : i32 to index
          %parallel_loop3A_442 = arith.index_cast %parallel_loop3A_341 : i32 to index
          %parallel_loop3A_443 = tpu.vector_load %arg13[%parallel_loop3A_441, %parallel_loop3A_442] {strides = array<i32>} : memref<32x512xf32, #tpu.memory_space<vmem>>, vector<1x16xf32>,
          %parallel_loop3A_444 = vector.shape_cast %parallel_loop3A_443 : vector<1x16xf32> to vector<16xf32>
          %parallel_loop3A_445 = arith.mulf %parallel_loop3A_444, %parallel_loop3A_350 : vector<16xf32>
          %parallel_loop3A_446 = arith.addf %parallel_loop3A_440, %parallel_loop3A_445 : vector<16xf32>
          %parallel_loop3A_447 = arith.constant 16 : i32
          %parallel_loop3A_448 = arith.muli %scan3A_90, %parallel_loop3A_447 : i32
          %parallel_loop3A_449 = arith.constant 6 : i32
          %parallel_loop3A_450 = arith.addi %parallel_loop3A_448, %parallel_loop3A_449 : i32
          %parallel_loop3A_451 = arith.index_cast %parallel_loop3A_450 : i32 to index
          %parallel_loop3A_452 = arith.index_cast %parallel_loop3A_341 : i32 to index
          %parallel_loop3A_453 = tpu.vector_load %arg12[%parallel_loop3A_451, %parallel_loop3A_452] {strides = array<i32>} : memref<32x512xf32, #tpu.memory_space<vmem>>, vector<1x16xf32>,
          %parallel_loop3A_454 = vector.shape_cast %parallel_loop3A_453 : vector<1x16xf32> to vector<16xf32>
          %parallel_loop3A_455 = arith.mulf %parallel_loop3A_454, %parallel_loop3A_344 : vector<16xf32>
          %parallel_loop3A_456 = arith.addf %parallel_loop3A_329, %parallel_loop3A_455 : vector<16xf32>
          %parallel_loop3A_457 = arith.index_cast %parallel_loop3A_450 : i32 to index
          %parallel_loop3A_458 = arith.index_cast %parallel_loop3A_341 : i32 to index
          %parallel_loop3A_459 = tpu.vector_load %arg13[%parallel_loop3A_457, %parallel_loop3A_458] {strides = array<i32>} : memref<32x512xf32, #tpu.memory_space<vmem>>, vector<1x16xf32>,
          %parallel_loop3A_460 = vector.shape_cast %parallel_loop3A_459 : vector<1x16xf32> to vector<16xf32>
          %parallel_loop3A_461 = arith.mulf %parallel_loop3A_460, %parallel_loop3A_350 : vector<16xf32>
          %parallel_loop3A_462 = arith.addf %parallel_loop3A_456, %parallel_loop3A_461 : vector<16xf32>
          %parallel_loop3A_463 = arith.constant 16 : i32
          %parallel_loop3A_464 = arith.muli %scan3A_90, %parallel_loop3A_463 : i32
          %parallel_loop3A_465 = arith.constant 7 : i32
          %parallel_loop3A_466 = arith.addi %parallel_loop3A_464, %parallel_loop3A_465 : i32
          %parallel_loop3A_467 = arith.index_cast %parallel_loop3A_466 : i32 to index
          %parallel_loop3A_468 = arith.index_cast %parallel_loop3A_341 : i32 to index
          %parallel_loop3A_469 = tpu.vector_load %arg12[%parallel_loop3A_467, %parallel_loop3A_468] {strides = array<i32>} : memref<32x512xf32, #tpu.memory_space<vmem>>, vector<1x16xf32>,
          %parallel_loop3A_470 = vector.shape_cast %parallel_loop3A_469 : vector<1x16xf32> to vector<16xf32>
          %parallel_loop3A_471 = arith.mulf %parallel_loop3A_470, %parallel_loop3A_344 : vector<16xf32>
          %parallel_loop3A_472 = arith.addf %parallel_loop3A_330, %parallel_loop3A_471 : vector<16xf32>
          %parallel_loop3A_473 = arith.index_cast %parallel_loop3A_466 : i32 to index
          %parallel_loop3A_474 = arith.index_cast %parallel_loop3A_341 : i32 to index
          %parallel_loop3A_475 = tpu.vector_load %arg13[%parallel_loop3A_473, %parallel_loop3A_474] {strides = array<i32>} : memref<32x512xf32, #tpu.memory_space<vmem>>, vector<1x16xf32>,
          %parallel_loop3A_476 = vector.shape_cast %parallel_loop3A_475 : vector<1x16xf32> to vector<16xf32>
          %parallel_loop3A_477 = arith.mulf %parallel_loop3A_476, %parallel_loop3A_350 : vector<16xf32>
          %parallel_loop3A_478 = arith.addf %parallel_loop3A_472, %parallel_loop3A_477 : vector<16xf32>
          %parallel_loop3A_479 = arith.constant 16 : i32
          %parallel_loop3A_480 = arith.muli %scan3A_90, %parallel_loop3A_479 : i32
          %parallel_loop3A_481 = arith.constant 8 : i32
          %parallel_loop3A_482 = arith.addi %parallel_loop3A_480, %parallel_loop3A_481 : i32
          %parallel_loop3A_483 = arith.index_cast %parallel_loop3A_482 : i32 to index
          %parallel_loop3A_484 = arith.index_cast %parallel_loop3A_341 : i32 to index
          %parallel_loop3A_485 = tpu.vector_load %arg12[%parallel_loop3A_483, %parallel_loop3A_484] {strides = array<i32>} : memref<32x512xf32, #tpu.memory_space<vmem>>, vector<1x16xf32>,
          %parallel_loop3A_486 = vector.shape_cast %parallel_loop3A_485 : vector<1x16xf32> to vector<16xf32>
          %parallel_loop3A_487 = arith.mulf %parallel_loop3A_486, %parallel_loop3A_344 : vector<16xf32>
          %parallel_loop3A_488 = arith.addf %parallel_loop3A_331, %parallel_loop3A_487 : vector<16xf32>
          %parallel_loop3A_489 = arith.index_cast %parallel_loop3A_482 : i32 to index
          %parallel_loop3A_490 = arith.index_cast %parallel_loop3A_341 : i32 to index
          %parallel_loop3A_491 = tpu.vector_load %arg13[%parallel_loop3A_489, %parallel_loop3A_490] {strides = array<i32>} : memref<32x512xf32, #tpu.memory_space<vmem>>, vector<1x16xf32>,
          %parallel_loop3A_492 = vector.shape_cast %parallel_loop3A_491 : vector<1x16xf32> to vector<16xf32>
          %parallel_loop3A_493 = arith.mulf %parallel_loop3A_492, %parallel_loop3A_350 : vector<16xf32>
          %parallel_loop3A_494 = arith.addf %parallel_loop3A_488, %parallel_loop3A_493 : vector<16xf32>
          %parallel_loop3A_495 = arith.constant 16 : i32
          %parallel_loop3A_496 = arith.muli %scan3A_90, %parallel_loop3A_495 : i32
          %parallel_loop3A_497 = arith.constant 9 : i32
          %parallel_loop3A_498 = arith.addi %parallel_loop3A_496, %parallel_loop3A_497 : i32
          %parallel_loop3A_499 = arith.index_cast %parallel_loop3A_498 : i32 to index
          %parallel_loop3A_500 = arith.index_cast %parallel_loop3A_341 : i32 to index
          %parallel_loop3A_501 = tpu.vector_load %arg12[%parallel_loop3A_499, %parallel_loop3A_500] {strides = array<i32>} : memref<32x512xf32, #tpu.memory_space<vmem>>, vector<1x16xf32>,
          %parallel_loop3A_502 = vector.shape_cast %parallel_loop3A_501 : vector<1x16xf32> to vector<16xf32>
          %parallel_loop3A_503 = arith.mulf %parallel_loop3A_502, %parallel_loop3A_344 : vector<16xf32>
          %parallel_loop3A_504 = arith.addf %parallel_loop3A_332, %parallel_loop3A_503 : vector<16xf32>
          %parallel_loop3A_505 = arith.index_cast %parallel_loop3A_498 : i32 to index
          %parallel_loop3A_506 = arith.index_cast %parallel_loop3A_341 : i32 to index
          %parallel_loop3A_507 = tpu.vector_load %arg13[%parallel_loop3A_505, %parallel_loop3A_506] {strides = array<i32>} : memref<32x512xf32, #tpu.memory_space<vmem>>, vector<1x16xf32>,
          %parallel_loop3A_508 = vector.shape_cast %parallel_loop3A_507 : vector<1x16xf32> to vector<16xf32>
          %parallel_loop3A_509 = arith.mulf %parallel_loop3A_508, %parallel_loop3A_350 : vector<16xf32>
          %parallel_loop3A_510 = arith.addf %parallel_loop3A_504, %parallel_loop3A_509 : vector<16xf32>
          %parallel_loop3A_511 = arith.constant 16 : i32
          %parallel_loop3A_512 = arith.muli %scan3A_90, %parallel_loop3A_511 : i32
          %parallel_loop3A_513 = arith.constant 10 : i32
          %parallel_loop3A_514 = arith.addi %parallel_loop3A_512, %parallel_loop3A_513 : i32
          %parallel_loop3A_515 = arith.index_cast %parallel_loop3A_514 : i32 to index
          %parallel_loop3A_516 = arith.index_cast %parallel_loop3A_341 : i32 to index
          %parallel_loop3A_517 = tpu.vector_load %arg12[%parallel_loop3A_515, %parallel_loop3A_516] {strides = array<i32>} : memref<32x512xf32, #tpu.memory_space<vmem>>, vector<1x16xf32>,
          %parallel_loop3A_518 = vector.shape_cast %parallel_loop3A_517 : vector<1x16xf32> to vector<16xf32>
          %parallel_loop3A_519 = arith.mulf %parallel_loop3A_518, %parallel_loop3A_344 : vector<16xf32>
          %parallel_loop3A_520 = arith.addf %parallel_loop3A_333, %parallel_loop3A_519 : vector<16xf32>
          %parallel_loop3A_521 = arith.index_cast %parallel_loop3A_514 : i32 to index
          %parallel_loop3A_522 = arith.index_cast %parallel_loop3A_341 : i32 to index
          %parallel_loop3A_523 = tpu.vector_load %arg13[%parallel_loop3A_521, %parallel_loop3A_522] {strides = array<i32>} : memref<32x512xf32, #tpu.memory_space<vmem>>, vector<1x16xf32>,
          %parallel_loop3A_524 = vector.shape_cast %parallel_loop3A_523 : vector<1x16xf32> to vector<16xf32>
          %parallel_loop3A_525 = arith.mulf %parallel_loop3A_524, %parallel_loop3A_350 : vector<16xf32>
          %parallel_loop3A_526 = arith.addf %parallel_loop3A_520, %parallel_loop3A_525 : vector<16xf32>
          %parallel_loop3A_527 = arith.constant 16 : i32
          %parallel_loop3A_528 = arith.muli %scan3A_90, %parallel_loop3A_527 : i32
          %parallel_loop3A_529 = arith.constant 11 : i32
          %parallel_loop3A_530 = arith.addi %parallel_loop3A_528, %parallel_loop3A_529 : i32
          %parallel_loop3A_531 = arith.index_cast %parallel_loop3A_530 : i32 to index
          %parallel_loop3A_532 = arith.index_cast %parallel_loop3A_341 : i32 to index
          %parallel_loop3A_533 = tpu.vector_load %arg12[%parallel_loop3A_531, %parallel_loop3A_532] {strides = array<i32>} : memref<32x512xf32, #tpu.memory_space<vmem>>, vector<1x16xf32>,
          %parallel_loop3A_534 = vector.shape_cast %parallel_loop3A_533 : vector<1x16xf32> to vector<16xf32>
          %parallel_loop3A_535 = arith.mulf %parallel_loop3A_534, %parallel_loop3A_344 : vector<16xf32>
          %parallel_loop3A_536 = arith.addf %parallel_loop3A_334, %parallel_loop3A_535 : vector<16xf32>
          %parallel_loop3A_537 = arith.index_cast %parallel_loop3A_530 : i32 to index
          %parallel_loop3A_538 = arith.index_cast %parallel_loop3A_341 : i32 to index
          %parallel_loop3A_539 = tpu.vector_load %arg13[%parallel_loop3A_537, %parallel_loop3A_538] {strides = array<i32>} : memref<32x512xf32, #tpu.memory_space<vmem>>, vector<1x16xf32>,
          %parallel_loop3A_540 = vector.shape_cast %parallel_loop3A_539 : vector<1x16xf32> to vector<16xf32>
          %parallel_loop3A_541 = arith.mulf %parallel_loop3A_540, %parallel_loop3A_350 : vector<16xf32>
          %parallel_loop3A_542 = arith.addf %parallel_loop3A_536, %parallel_loop3A_541 : vector<16xf32>
          %parallel_loop3A_543 = arith.constant 16 : i32
          %parallel_loop3A_544 = arith.muli %scan3A_90, %parallel_loop3A_543 : i32
          %parallel_loop3A_545 = arith.constant 12 : i32
          %parallel_loop3A_546 = arith.addi %parallel_loop3A_544, %parallel_loop3A_545 : i32
          %parallel_loop3A_547 = arith.index_cast %parallel_loop3A_546 : i32 to index
          %parallel_loop3A_548 = arith.index_cast %parallel_loop3A_341 : i32 to index
          %parallel_loop3A_549 = tpu.vector_load %arg12[%parallel_loop3A_547, %parallel_loop3A_548] {strides = array<i32>} : memref<32x512xf32, #tpu.memory_space<vmem>>, vector<1x16xf32>,
          %parallel_loop3A_550 = vector.shape_cast %parallel_loop3A_549 : vector<1x16xf32> to vector<16xf32>
          %parallel_loop3A_551 = arith.mulf %parallel_loop3A_550, %parallel_loop3A_344 : vector<16xf32>
          %parallel_loop3A_552 = arith.addf %parallel_loop3A_335, %parallel_loop3A_551 : vector<16xf32>
          %parallel_loop3A_553 = arith.index_cast %parallel_loop3A_546 : i32 to index
          %parallel_loop3A_554 = arith.index_cast %parallel_loop3A_341 : i32 to index
          %parallel_loop3A_555 = tpu.vector_load %arg13[%parallel_loop3A_553, %parallel_loop3A_554] {strides = array<i32>} : memref<32x512xf32, #tpu.memory_space<vmem>>, vector<1x16xf32>,
          %parallel_loop3A_556 = vector.shape_cast %parallel_loop3A_555 : vector<1x16xf32> to vector<16xf32>
          %parallel_loop3A_557 = arith.mulf %parallel_loop3A_556, %parallel_loop3A_350 : vector<16xf32>
          %parallel_loop3A_558 = arith.addf %parallel_loop3A_552, %parallel_loop3A_557 : vector<16xf32>
          %parallel_loop3A_559 = arith.constant 16 : i32
          %parallel_loop3A_560 = arith.muli %scan3A_90, %parallel_loop3A_559 : i32
          %parallel_loop3A_561 = arith.constant 13 : i32
          %parallel_loop3A_562 = arith.addi %parallel_loop3A_560, %parallel_loop3A_561 : i32
          %parallel_loop3A_563 = arith.index_cast %parallel_loop3A_562 : i32 to index
          %parallel_loop3A_564 = arith.index_cast %parallel_loop3A_341 : i32 to index
          %parallel_loop3A_565 = tpu.vector_load %arg12[%parallel_loop3A_563, %parallel_loop3A_564] {strides = array<i32>} : memref<32x512xf32, #tpu.memory_space<vmem>>, vector<1x16xf32>,
          %parallel_loop3A_566 = vector.shape_cast %parallel_loop3A_565 : vector<1x16xf32> to vector<16xf32>
          %parallel_loop3A_567 = arith.mulf %parallel_loop3A_566, %parallel_loop3A_344 : vector<16xf32>
          %parallel_loop3A_568 = arith.addf %parallel_loop3A_336, %parallel_loop3A_567 : vector<16xf32>
          %parallel_loop3A_569 = arith.index_cast %parallel_loop3A_562 : i32 to index
          %parallel_loop3A_570 = arith.index_cast %parallel_loop3A_341 : i32 to index
          %parallel_loop3A_571 = tpu.vector_load %arg13[%parallel_loop3A_569, %parallel_loop3A_570] {strides = array<i32>} : memref<32x512xf32, #tpu.memory_space<vmem>>, vector<1x16xf32>,
          %parallel_loop3A_572 = vector.shape_cast %parallel_loop3A_571 : vector<1x16xf32> to vector<16xf32>
          %parallel_loop3A_573 = arith.mulf %parallel_loop3A_572, %parallel_loop3A_350 : vector<16xf32>
          %parallel_loop3A_574 = arith.addf %parallel_loop3A_568, %parallel_loop3A_573 : vector<16xf32>
          %parallel_loop3A_575 = arith.constant 16 : i32
          %parallel_loop3A_576 = arith.muli %scan3A_90, %parallel_loop3A_575 : i32
          %parallel_loop3A_577 = arith.constant 14 : i32
          %parallel_loop3A_578 = arith.addi %parallel_loop3A_576, %parallel_loop3A_577 : i32
          %parallel_loop3A_579 = arith.index_cast %parallel_loop3A_578 : i32 to index
          %parallel_loop3A_580 = arith.index_cast %parallel_loop3A_341 : i32 to index
          %parallel_loop3A_581 = tpu.vector_load %arg12[%parallel_loop3A_579, %parallel_loop3A_580] {strides = array<i32>} : memref<32x512xf32, #tpu.memory_space<vmem>>, vector<1x16xf32>,
          %parallel_loop3A_582 = vector.shape_cast %parallel_loop3A_581 : vector<1x16xf32> to vector<16xf32>
          %parallel_loop3A_583 = arith.mulf %parallel_loop3A_582, %parallel_loop3A_344 : vector<16xf32>
          %parallel_loop3A_584 = arith.addf %parallel_loop3A_337, %parallel_loop3A_583 : vector<16xf32>
          %parallel_loop3A_585 = arith.index_cast %parallel_loop3A_578 : i32 to index
          %parallel_loop3A_586 = arith.index_cast %parallel_loop3A_341 : i32 to index
          %parallel_loop3A_587 = tpu.vector_load %arg13[%parallel_loop3A_585, %parallel_loop3A_586] {strides = array<i32>} : memref<32x512xf32, #tpu.memory_space<vmem>>, vector<1x16xf32>,
          %parallel_loop3A_588 = vector.shape_cast %parallel_loop3A_587 : vector<1x16xf32> to vector<16xf32>
          %parallel_loop3A_589 = arith.mulf %parallel_loop3A_588, %parallel_loop3A_350 : vector<16xf32>
          %parallel_loop3A_590 = arith.addf %parallel_loop3A_584, %parallel_loop3A_589 : vector<16xf32>
          %parallel_loop3A_591 = arith.constant 16 : i32
          %parallel_loop3A_592 = arith.muli %scan3A_90, %parallel_loop3A_591 : i32
          %parallel_loop3A_593 = arith.constant 15 : i32
          %parallel_loop3A_594 = arith.addi %parallel_loop3A_592, %parallel_loop3A_593 : i32
          %parallel_loop3A_595 = arith.index_cast %parallel_loop3A_594 : i32 to index
          %parallel_loop3A_596 = arith.index_cast %parallel_loop3A_341 : i32 to index
          %parallel_loop3A_597 = tpu.vector_load %arg12[%parallel_loop3A_595, %parallel_loop3A_596] {strides = array<i32>} : memref<32x512xf32, #tpu.memory_space<vmem>>, vector<1x16xf32>,
          %parallel_loop3A_598 = vector.shape_cast %parallel_loop3A_597 : vector<1x16xf32> to vector<16xf32>
          %parallel_loop3A_599 = arith.mulf %parallel_loop3A_598, %parallel_loop3A_344 : vector<16xf32>
          %parallel_loop3A_600 = arith.addf %parallel_loop3A_338, %parallel_loop3A_599 : vector<16xf32>
          %parallel_loop3A_601 = arith.index_cast %parallel_loop3A_594 : i32 to index
          %parallel_loop3A_602 = arith.index_cast %parallel_loop3A_341 : i32 to index
          %parallel_loop3A_603 = tpu.vector_load %arg13[%parallel_loop3A_601, %parallel_loop3A_602] {strides = array<i32>} : memref<32x512xf32, #tpu.memory_space<vmem>>, vector<1x16xf32>,
          %parallel_loop3A_604 = vector.shape_cast %parallel_loop3A_603 : vector<1x16xf32> to vector<16xf32>
          %parallel_loop3A_605 = arith.mulf %parallel_loop3A_604, %parallel_loop3A_350 : vector<16xf32>
          %parallel_loop3A_606 = arith.addf %parallel_loop3A_600, %parallel_loop3A_605 : vector<16xf32>
          scf.yield %parallel_loop3A_366, %parallel_loop3A_382, %parallel_loop3A_398, %parallel_loop3A_414, %parallel_loop3A_430, %parallel_loop3A_446, %parallel_loop3A_462, %parallel_loop3A_478, %parallel_loop3A_494, %parallel_loop3A_510, %parallel_loop3A_526, %parallel_loop3A_542, %parallel_loop3A_558, %parallel_loop3A_574, %parallel_loop3A_590, %parallel_loop3A_606 : vector<16xf32>, vector<16xf32>, vector<16xf32>, vector<16xf32>, vector<16xf32>, vector<16xf32>, vector<16xf32>, vector<16xf32>, vector<16xf32>, vector<16xf32>, vector<16xf32>, vector<16xf32>, vector<16xf32>, vector<16xf32>, vector<16xf32>, vector<16xf32>
        } {sc.loop_unroll_factor = 8 : i64, sc.parallel_access}
        %and3A = arith.constant 1 : i32
        %and3A_94 = vector.broadcast %and3A : i32 to vector<16xi32>
        %and3A_95 = arith.andi %iota3A_76, %and3A_94 : vector<16xi32>
        %eq3A = arith.constant 0 : i32
        %eq3A_96 = vector.broadcast %eq3A : i32 to vector<16xi32>
        %eq3A_97 = arith.cmpi eq, %and3A_95, %eq3A_96 : vector<16xi32>
        %select_n3A = arith.select %eq3A_97, %parallel_loop3A_93#0, %parallel_loop3A_93#1 : vector<16xi1>, vector<16xf32>
        %select_n3A_98 = arith.select %eq3A_97, %parallel_loop3A_93#1, %parallel_loop3A_93#0 : vector<16xi1>, vector<16xf32>
        %xor3A = arith.constant 1 : i32
        %xor3A_99 = vector.broadcast %xor3A : i32 to vector<16xi32>
        %xor3A_100 = arith.xori %iota3A_76, %xor3A_99 : vector<16xi32>
        %broadcast_in_dim3A_101 = vector.shape_cast %xor3A_100 : vector<16xi32> to vector<16x1xi32>
        %gather3A = vector.shape_cast %broadcast_in_dim3A_101 : vector<16x1xi32> to vector<16xi32>
        %gather3A_102 = tpu.dynamic_gather %select_n3A_98[%gather3A] in [0] : vector<16xf32>, vector<16xi32> -> vector<16xf32>
        %add3A_103 = arith.addf %select_n3A, %gather3A_102 : vector<16xf32>
        %and3A_104 = arith.constant 1 : i32
        %and3A_105 = vector.broadcast %and3A_104 : i32 to vector<16xi32>
        %and3A_106 = arith.andi %iota3A_76, %and3A_105 : vector<16xi32>
        %eq3A_107 = arith.constant 0 : i32
        %eq3A_108 = vector.broadcast %eq3A_107 : i32 to vector<16xi32>
        %eq3A_109 = arith.cmpi eq, %and3A_106, %eq3A_108 : vector<16xi32>
        %select_n3A_110 = arith.select %eq3A_109, %parallel_loop3A_93#2, %parallel_loop3A_93#3 : vector<16xi1>, vector<16xf32>
        %select_n3A_111 = arith.select %eq3A_109, %parallel_loop3A_93#3, %parallel_loop3A_93#2 : vector<16xi1>, vector<16xf32>
        %xor3A_112 = arith.constant 1 : i32
        %xor3A_113 = vector.broadcast %xor3A_112 : i32 to vector<16xi32>
        %xor3A_114 = arith.xori %iota3A_76, %xor3A_113 : vector<16xi32>
        %broadcast_in_dim3A_115 = vector.shape_cast %xor3A_114 : vector<16xi32> to vector<16x1xi32>
        %gather3A_116 = vector.shape_cast %broadcast_in_dim3A_115 : vector<16x1xi32> to vector<16xi32>
        %gather3A_117 = tpu.dynamic_gather %select_n3A_111[%gather3A_116] in [0] : vector<16xf32>, vector<16xi32> -> vector<16xf32>
        %add3A_118 = arith.addf %select_n3A_110, %gather3A_117 : vector<16xf32>
        %and3A_119 = arith.constant 1 : i32
        %and3A_120 = vector.broadcast %and3A_119 : i32 to vector<16xi32>
        %and3A_121 = arith.andi %iota3A_76, %and3A_120 : vector<16xi32>
        %eq3A_122 = arith.constant 0 : i32
        %eq3A_123 = vector.broadcast %eq3A_122 : i32 to vector<16xi32>
        %eq3A_124 = arith.cmpi eq, %and3A_121, %eq3A_123 : vector<16xi32>
        %select_n3A_125 = arith.select %eq3A_124, %parallel_loop3A_93#4, %parallel_loop3A_93#5 : vector<16xi1>, vector<16xf32>
        %select_n3A_126 = arith.select %eq3A_124, %parallel_loop3A_93#5, %parallel_loop3A_93#4 : vector<16xi1>, vector<16xf32>
        %xor3A_127 = arith.constant 1 : i32
        %xor3A_128 = vector.broadcast %xor3A_127 : i32 to vector<16xi32>
        %xor3A_129 = arith.xori %iota3A_76, %xor3A_128 : vector<16xi32>
        %broadcast_in_dim3A_130 = vector.shape_cast %xor3A_129 : vector<16xi32> to vector<16x1xi32>
        %gather3A_131 = vector.shape_cast %broadcast_in_dim3A_130 : vector<16x1xi32> to vector<16xi32>
        %gather3A_132 = tpu.dynamic_gather %select_n3A_126[%gather3A_131] in [0] : vector<16xf32>, vector<16xi32> -> vector<16xf32>
        %add3A_133 = arith.addf %select_n3A_125, %gather3A_132 : vector<16xf32>
        %and3A_134 = arith.constant 1 : i32
        %and3A_135 = vector.broadcast %and3A_134 : i32 to vector<16xi32>
        %and3A_136 = arith.andi %iota3A_76, %and3A_135 : vector<16xi32>
        %eq3A_137 = arith.constant 0 : i32
        %eq3A_138 = vector.broadcast %eq3A_137 : i32 to vector<16xi32>
        %eq3A_139 = arith.cmpi eq, %and3A_136, %eq3A_138 : vector<16xi32>
        %select_n3A_140 = arith.select %eq3A_139, %parallel_loop3A_93#6, %parallel_loop3A_93#7 : vector<16xi1>, vector<16xf32>
        %select_n3A_141 = arith.select %eq3A_139, %parallel_loop3A_93#7, %parallel_loop3A_93#6 : vector<16xi1>, vector<16xf32>
        %xor3A_142 = arith.constant 1 : i32
        %xor3A_143 = vector.broadcast %xor3A_142 : i32 to vector<16xi32>
        %xor3A_144 = arith.xori %iota3A_76, %xor3A_143 : vector<16xi32>
        %broadcast_in_dim3A_145 = vector.shape_cast %xor3A_144 : vector<16xi32> to vector<16x1xi32>
        %gather3A_146 = vector.shape_cast %broadcast_in_dim3A_145 : vector<16x1xi32> to vector<16xi32>
        %gather3A_147 = tpu.dynamic_gather %select_n3A_141[%gather3A_146] in [0] : vector<16xf32>, vector<16xi32> -> vector<16xf32>
        %add3A_148 = arith.addf %select_n3A_140, %gather3A_147 : vector<16xf32>
        %and3A_149 = arith.constant 1 : i32
        %and3A_150 = vector.broadcast %and3A_149 : i32 to vector<16xi32>
        %and3A_151 = arith.andi %iota3A_76, %and3A_150 : vector<16xi32>
        %eq3A_152 = arith.constant 0 : i32
        %eq3A_153 = vector.broadcast %eq3A_152 : i32 to vector<16xi32>
        %eq3A_154 = arith.cmpi eq, %and3A_151, %eq3A_153 : vector<16xi32>
        %select_n3A_155 = arith.select %eq3A_154, %parallel_loop3A_93#8, %parallel_loop3A_93#9 : vector<16xi1>, vector<16xf32>
        %select_n3A_156 = arith.select %eq3A_154, %parallel_loop3A_93#9, %parallel_loop3A_93#8 : vector<16xi1>, vector<16xf32>
        %xor3A_157 = arith.constant 1 : i32
        %xor3A_158 = vector.broadcast %xor3A_157 : i32 to vector<16xi32>
        %xor3A_159 = arith.xori %iota3A_76, %xor3A_158 : vector<16xi32>
        %broadcast_in_dim3A_160 = vector.shape_cast %xor3A_159 : vector<16xi32> to vector<16x1xi32>
        %gather3A_161 = vector.shape_cast %broadcast_in_dim3A_160 : vector<16x1xi32> to vector<16xi32>
        %gather3A_162 = tpu.dynamic_gather %select_n3A_156[%gather3A_161] in [0] : vector<16xf32>, vector<16xi32> -> vector<16xf32>
        %add3A_163 = arith.addf %select_n3A_155, %gather3A_162 : vector<16xf32>
        %and3A_164 = arith.constant 1 : i32
        %and3A_165 = vector.broadcast %and3A_164 : i32 to vector<16xi32>
        %and3A_166 = arith.andi %iota3A_76, %and3A_165 : vector<16xi32>
        %eq3A_167 = arith.constant 0 : i32
        %eq3A_168 = vector.broadcast %eq3A_167 : i32 to vector<16xi32>
        %eq3A_169 = arith.cmpi eq, %and3A_166, %eq3A_168 : vector<16xi32>
        %select_n3A_170 = arith.select %eq3A_169, %parallel_loop3A_93#10, %parallel_loop3A_93#11 : vector<16xi1>, vector<16xf32>
        %select_n3A_171 = arith.select %eq3A_169, %parallel_loop3A_93#11, %parallel_loop3A_93#10 : vector<16xi1>, vector<16xf32>
        %xor3A_172 = arith.constant 1 : i32
        %xor3A_173 = vector.broadcast %xor3A_172 : i32 to vector<16xi32>
        %xor3A_174 = arith.xori %iota3A_76, %xor3A_173 : vector<16xi32>
        %broadcast_in_dim3A_175 = vector.shape_cast %xor3A_174 : vector<16xi32> to vector<16x1xi32>
        %gather3A_176 = vector.shape_cast %broadcast_in_dim3A_175 : vector<16x1xi32> to vector<16xi32>
        %gather3A_177 = tpu.dynamic_gather %select_n3A_171[%gather3A_176] in [0] : vector<16xf32>, vector<16xi32> -> vector<16xf32>
        %add3A_178 = arith.addf %select_n3A_170, %gather3A_177 : vector<16xf32>
        %and3A_179 = arith.constant 1 : i32
        %and3A_180 = vector.broadcast %and3A_179 : i32 to vector<16xi32>
        %and3A_181 = arith.andi %iota3A_76, %and3A_180 : vector<16xi32>
        %eq3A_182 = arith.constant 0 : i32
        %eq3A_183 = vector.broadcast %eq3A_182 : i32 to vector<16xi32>
        %eq3A_184 = arith.cmpi eq, %and3A_181, %eq3A_183 : vector<16xi32>
        %select_n3A_185 = arith.select %eq3A_184, %parallel_loop3A_93#12, %parallel_loop3A_93#13 : vector<16xi1>, vector<16xf32>
        %select_n3A_186 = arith.select %eq3A_184, %parallel_loop3A_93#13, %parallel_loop3A_93#12 : vector<16xi1>, vector<16xf32>
        %xor3A_187 = arith.constant 1 : i32
        %xor3A_188 = vector.broadcast %xor3A_187 : i32 to vector<16xi32>
        %xor3A_189 = arith.xori %iota3A_76, %xor3A_188 : vector<16xi32>
        %broadcast_in_dim3A_190 = vector.shape_cast %xor3A_189 : vector<16xi32> to vector<16x1xi32>
        %gather3A_191 = vector.shape_cast %broadcast_in_dim3A_190 : vector<16x1xi32> to vector<16xi32>
        %gather3A_192 = tpu.dynamic_gather %select_n3A_186[%gather3A_191] in [0] : vector<16xf32>, vector<16xi32> -> vector<16xf32>
        %add3A_193 = arith.addf %select_n3A_185, %gather3A_192 : vector<16xf32>
        %and3A_194 = arith.constant 1 : i32
        %and3A_195 = vector.broadcast %and3A_194 : i32 to vector<16xi32>
        %and3A_196 = arith.andi %iota3A_76, %and3A_195 : vector<16xi32>
        %eq3A_197 = arith.constant 0 : i32
        %eq3A_198 = vector.broadcast %eq3A_197 : i32 to vector<16xi32>
        %eq3A_199 = arith.cmpi eq, %and3A_196, %eq3A_198 : vector<16xi32>
        %select_n3A_200 = arith.select %eq3A_199, %parallel_loop3A_93#14, %parallel_loop3A_93#15 : vector<16xi1>, vector<16xf32>
        %select_n3A_201 = arith.select %eq3A_199, %parallel_loop3A_93#15, %parallel_loop3A_93#14 : vector<16xi1>, vector<16xf32>
        %xor3A_202 = arith.constant 1 : i32
        %xor3A_203 = vector.broadcast %xor3A_202 : i32 to vector<16xi32>
        %xor3A_204 = arith.xori %iota3A_76, %xor3A_203 : vector<16xi32>
        %broadcast_in_dim3A_205 = vector.shape_cast %xor3A_204 : vector<16xi32> to vector<16x1xi32>
        %gather3A_206 = vector.shape_cast %broadcast_in_dim3A_205 : vector<16x1xi32> to vector<16xi32>
        %gather3A_207 = tpu.dynamic_gather %select_n3A_201[%gather3A_206] in [0] : vector<16xf32>, vector<16xi32> -> vector<16xf32>
        %add3A_208 = arith.addf %select_n3A_200, %gather3A_207 : vector<16xf32>
        %and3A_209 = arith.constant 2 : i32
        %and3A_210 = vector.broadcast %and3A_209 : i32 to vector<16xi32>
        %and3A_211 = arith.andi %iota3A_76, %and3A_210 : vector<16xi32>
        %eq3A_212 = arith.constant 0 : i32
        %eq3A_213 = vector.broadcast %eq3A_212 : i32 to vector<16xi32>
        %eq3A_214 = arith.cmpi eq, %and3A_211, %eq3A_213 : vector<16xi32>
        %select_n3A_215 = arith.select %eq3A_214, %add3A_103, %add3A_118 : vector<16xi1>, vector<16xf32>
        %select_n3A_216 = arith.select %eq3A_214, %add3A_118, %add3A_103 : vector<16xi1>, vector<16xf32>
        %xor3A_217 = arith.constant 2 : i32
        %xor3A_218 = vector.broadcast %xor3A_217 : i32 to vector<16xi32>
        %xor3A_219 = arith.xori %iota3A_76, %xor3A_218 : vector<16xi32>
        %broadcast_in_dim3A_220 = vector.shape_cast %xor3A_219 : vector<16xi32> to vector<16x1xi32>
        %gather3A_221 = vector.shape_cast %broadcast_in_dim3A_220 : vector<16x1xi32> to vector<16xi32>
        %gather3A_222 = tpu.dynamic_gather %select_n3A_216[%gather3A_221] in [0] : vector<16xf32>, vector<16xi32> -> vector<16xf32>
        %add3A_223 = arith.addf %select_n3A_215, %gather3A_222 : vector<16xf32>
        %and3A_224 = arith.constant 2 : i32
        %and3A_225 = vector.broadcast %and3A_224 : i32 to vector<16xi32>
        %and3A_226 = arith.andi %iota3A_76, %and3A_225 : vector<16xi32>
        %eq3A_227 = arith.constant 0 : i32
        %eq3A_228 = vector.broadcast %eq3A_227 : i32 to vector<16xi32>
        %eq3A_229 = arith.cmpi eq, %and3A_226, %eq3A_228 : vector<16xi32>
        %select_n3A_230 = arith.select %eq3A_229, %add3A_133, %add3A_148 : vector<16xi1>, vector<16xf32>
        %select_n3A_231 = arith.select %eq3A_229, %add3A_148, %add3A_133 : vector<16xi1>, vector<16xf32>
        %xor3A_232 = arith.constant 2 : i32
        %xor3A_233 = vector.broadcast %xor3A_232 : i32 to vector<16xi32>
        %xor3A_234 = arith.xori %iota3A_76, %xor3A_233 : vector<16xi32>
        %broadcast_in_dim3A_235 = vector.shape_cast %xor3A_234 : vector<16xi32> to vector<16x1xi32>
        %gather3A_236 = vector.shape_cast %broadcast_in_dim3A_235 : vector<16x1xi32> to vector<16xi32>
        %gather3A_237 = tpu.dynamic_gather %select_n3A_231[%gather3A_236] in [0] : vector<16xf32>, vector<16xi32> -> vector<16xf32>
        %add3A_238 = arith.addf %select_n3A_230, %gather3A_237 : vector<16xf32>
        %and3A_239 = arith.constant 2 : i32
        %and3A_240 = vector.broadcast %and3A_239 : i32 to vector<16xi32>
        %and3A_241 = arith.andi %iota3A_76, %and3A_240 : vector<16xi32>
        %eq3A_242 = arith.constant 0 : i32
        %eq3A_243 = vector.broadcast %eq3A_242 : i32 to vector<16xi32>
        %eq3A_244 = arith.cmpi eq, %and3A_241, %eq3A_243 : vector<16xi32>
        %select_n3A_245 = arith.select %eq3A_244, %add3A_163, %add3A_178 : vector<16xi1>, vector<16xf32>
        %select_n3A_246 = arith.select %eq3A_244, %add3A_178, %add3A_163 : vector<16xi1>, vector<16xf32>
        %xor3A_247 = arith.constant 2 : i32
        %xor3A_248 = vector.broadcast %xor3A_247 : i32 to vector<16xi32>
        %xor3A_249 = arith.xori %iota3A_76, %xor3A_248 : vector<16xi32>
        %broadcast_in_dim3A_250 = vector.shape_cast %xor3A_249 : vector<16xi32> to vector<16x1xi32>
        %gather3A_251 = vector.shape_cast %broadcast_in_dim3A_250 : vector<16x1xi32> to vector<16xi32>
        %gather3A_252 = tpu.dynamic_gather %select_n3A_246[%gather3A_251] in [0] : vector<16xf32>, vector<16xi32> -> vector<16xf32>
        %add3A_253 = arith.addf %select_n3A_245, %gather3A_252 : vector<16xf32>
        %and3A_254 = arith.constant 2 : i32
        %and3A_255 = vector.broadcast %and3A_254 : i32 to vector<16xi32>
        %and3A_256 = arith.andi %iota3A_76, %and3A_255 : vector<16xi32>
        %eq3A_257 = arith.constant 0 : i32
        %eq3A_258 = vector.broadcast %eq3A_257 : i32 to vector<16xi32>
        %eq3A_259 = arith.cmpi eq, %and3A_256, %eq3A_258 : vector<16xi32>
        %select_n3A_260 = arith.select %eq3A_259, %add3A_193, %add3A_208 : vector<16xi1>, vector<16xf32>
        %select_n3A_261 = arith.select %eq3A_259, %add3A_208, %add3A_193 : vector<16xi1>, vector<16xf32>
        %xor3A_262 = arith.constant 2 : i32
        %xor3A_263 = vector.broadcast %xor3A_262 : i32 to vector<16xi32>
        %xor3A_264 = arith.xori %iota3A_76, %xor3A_263 : vector<16xi32>
        %broadcast_in_dim3A_265 = vector.shape_cast %xor3A_264 : vector<16xi32> to vector<16x1xi32>
        %gather3A_266 = vector.shape_cast %broadcast_in_dim3A_265 : vector<16x1xi32> to vector<16xi32>
        %gather3A_267 = tpu.dynamic_gather %select_n3A_261[%gather3A_266] in [0] : vector<16xf32>, vector<16xi32> -> vector<16xf32>
        %add3A_268 = arith.addf %select_n3A_260, %gather3A_267 : vector<16xf32>
        %and3A_269 = arith.constant 4 : i32
        %and3A_270 = vector.broadcast %and3A_269 : i32 to vector<16xi32>
        %and3A_271 = arith.andi %iota3A_76, %and3A_270 : vector<16xi32>
        %eq3A_272 = arith.constant 0 : i32
        %eq3A_273 = vector.broadcast %eq3A_272 : i32 to vector<16xi32>
        %eq3A_274 = arith.cmpi eq, %and3A_271, %eq3A_273 : vector<16xi32>
        %select_n3A_275 = arith.select %eq3A_274, %add3A_223, %add3A_238 : vector<16xi1>, vector<16xf32>
        %select_n3A_276 = arith.select %eq3A_274, %add3A_238, %add3A_223 : vector<16xi1>, vector<16xf32>
        %xor3A_277 = arith.constant 4 : i32
        %xor3A_278 = vector.broadcast %xor3A_277 : i32 to vector<16xi32>
        %xor3A_279 = arith.xori %iota3A_76, %xor3A_278 : vector<16xi32>
        %broadcast_in_dim3A_280 = vector.shape_cast %xor3A_279 : vector<16xi32> to vector<16x1xi32>
        %gather3A_281 = vector.shape_cast %broadcast_in_dim3A_280 : vector<16x1xi32> to vector<16xi32>
        %gather3A_282 = tpu.dynamic_gather %select_n3A_276[%gather3A_281] in [0] : vector<16xf32>, vector<16xi32> -> vector<16xf32>
        %add3A_283 = arith.addf %select_n3A_275, %gather3A_282 : vector<16xf32>
        %and3A_284 = arith.constant 4 : i32
        %and3A_285 = vector.broadcast %and3A_284 : i32 to vector<16xi32>
        %and3A_286 = arith.andi %iota3A_76, %and3A_285 : vector<16xi32>
        %eq3A_287 = arith.constant 0 : i32
        %eq3A_288 = vector.broadcast %eq3A_287 : i32 to vector<16xi32>
        %eq3A_289 = arith.cmpi eq, %and3A_286, %eq3A_288 : vector<16xi32>
        %select_n3A_290 = arith.select %eq3A_289, %add3A_253, %add3A_268 : vector<16xi1>, vector<16xf32>
        %select_n3A_291 = arith.select %eq3A_289, %add3A_268, %add3A_253 : vector<16xi1>, vector<16xf32>
        %xor3A_292 = arith.constant 4 : i32
        %xor3A_293 = vector.broadcast %xor3A_292 : i32 to vector<16xi32>
        %xor3A_294 = arith.xori %iota3A_76, %xor3A_293 : vector<16xi32>
        %broadcast_in_dim3A_295 = vector.shape_cast %xor3A_294 : vector<16xi32> to vector<16x1xi32>
        %gather3A_296 = vector.shape_cast %broadcast_in_dim3A_295 : vector<16x1xi32> to vector<16xi32>
        %gather3A_297 = tpu.dynamic_gather %select_n3A_291[%gather3A_296] in [0] : vector<16xf32>, vector<16xi32> -> vector<16xf32>
        %add3A_298 = arith.addf %select_n3A_290, %gather3A_297 : vector<16xf32>
        %and3A_299 = arith.constant 8 : i32
        %and3A_300 = vector.broadcast %and3A_299 : i32 to vector<16xi32>
        %and3A_301 = arith.andi %iota3A_76, %and3A_300 : vector<16xi32>
        %eq3A_302 = arith.constant 0 : i32
        %eq3A_303 = vector.broadcast %eq3A_302 : i32 to vector<16xi32>
        %eq3A_304 = arith.cmpi eq, %and3A_301, %eq3A_303 : vector<16xi32>
        %select_n3A_305 = arith.select %eq3A_304, %add3A_283, %add3A_298 : vector<16xi1>, vector<16xf32>
        %select_n3A_306 = arith.select %eq3A_304, %add3A_298, %add3A_283 : vector<16xi1>, vector<16xf32>
        %xor3A_307 = arith.constant 8 : i32
        %xor3A_308 = vector.broadcast %xor3A_307 : i32 to vector<16xi32>
        %xor3A_309 = arith.xori %iota3A_76, %xor3A_308 : vector<16xi32>
        %broadcast_in_dim3A_310 = vector.shape_cast %xor3A_309 : vector<16xi32> to vector<16x1xi32>
        %gather3A_311 = vector.shape_cast %broadcast_in_dim3A_310 : vector<16x1xi32> to vector<16xi32>
        %gather3A_312 = tpu.dynamic_gather %select_n3A_306[%gather3A_311] in [0] : vector<16xf32>, vector<16xi32> -> vector<16xf32>
        %add3A_313 = arith.addf %select_n3A_305, %gather3A_312 : vector<16xf32>
        %add3A_314 = arith.addf %add3A_313, %get3A_10 : vector<16xf32>
        %mul3A_315 = arith.constant 16 : i32
        %mul3A_316 = arith.muli %scan3A_90, %mul3A_315 : i32
        %add3A_317 = arith.addi %mul3A_75, %mul3A_316 : i32
        %multiple_of3A_318 = tpu.assume_multiple %add3A_317, 16 : i32
        %swap3A = arith.index_cast %multiple_of3A_318 : i32 to index
        %swap3A_319 = tpu.vector_load %arg14[%swap3A] {strides = array<i32>} : memref<512xf32, #tpu.memory_space<vmem>>, vector<16xf32>,
        %swap3A_320 = vector.shape_cast %swap3A_319 : vector<16xf32> to vector<16xf32>
        %swap3A_321 = vector.shape_cast %add3A_314 : vector<16xf32> to vector<16xf32>
        tpu.vector_store %arg14[%swap3A], %swap3A_321 {strides = array<i32>} : memref<512xf32, #tpu.memory_space<vmem>>, vector<16xf32>,
      }
      %scan3A_84 = arith.constant 2 : i32
      %lt3A_85 = arith.constant 7 : i32
      %lt3A_86 = arith.cmpi slt, %scan3A_36, %lt3A_85 : i32
      %convert_element_type3A_87 = arith.extui %lt3A_86 : i1 to i32
      %cond3A_88 = arith.constant 0 : i32
      %cond3A_89 = arith.cmpi ne, %convert_element_type3A_87, %cond3A_88 : i32
      scf.if %cond3A_89 {
        %add3A_90 = arith.constant 3 : i32
        %add3A_91 = arith.addi %mul3A_38, %add3A_90 : i32
        %mul3A_92 = arith.constant 32 : i32
        %mul3A_93 = arith.muli %add3A_91, %mul3A_92 : i32
        %multiple_of3A_94 = tpu.assume_multiple %mul3A_93, 32 : i32
        %dma_start3A_95 = tpu.memref_slice %arg8[%multiple_of3A_94] : memref<512xi32, #tpu.memory_space<vmem>> -> memref<32xi32, #tpu.memory_space<vmem>>
        %dma_start3A_96 = arith.constant 0 : i32
        %dma_start3A_97 = arith.constant 0 : i32
        %dma_start3A_98 = tpu.memref_slice %arg2[%dma_start3A_96, %dma_start3A_97] : memref<1000000x512xf32, #tpu.memory_space<hbm>> -> memref<1000000x512xf32, #tpu.memory_space<hbm>>
        tpu.enqueue_indirect_dma source(%dma_start3A_98 : memref<1000000x512xf32, #tpu.memory_space<hbm>>) target(%arg12 : memref<32x512xf32, #tpu.memory_space<vmem>>) offsets(%dma_start3A_95 : memref<32xi32, #tpu.memory_space<vmem>>) semaphore(%arg17 : memref<!tpu.dma_semaphore, #tpu.memory_space<semaphore_mem>>)
        %dma_start3A_99 = tpu.memref_slice %arg9[%multiple_of3A_94] : memref<512xi32, #tpu.memory_space<vmem>> -> memref<32xi32, #tpu.memory_space<vmem>>
        %dma_start3A_100 = arith.constant 0 : i32
        %dma_start3A_101 = arith.constant 0 : i32
        %dma_start3A_102 = tpu.memref_slice %arg2[%dma_start3A_100, %dma_start3A_101] : memref<1000000x512xf32, #tpu.memory_space<hbm>> -> memref<1000000x512xf32, #tpu.memory_space<hbm>>
        tpu.enqueue_indirect_dma source(%dma_start3A_102 : memref<1000000x512xf32, #tpu.memory_space<hbm>>) target(%arg13 : memref<32x512xf32, #tpu.memory_space<vmem>>) offsets(%dma_start3A_99 : memref<32xi32, #tpu.memory_space<vmem>>) semaphore(%arg18 : memref<!tpu.dma_semaphore, #tpu.memory_space<semaphore_mem>>)
      } else {
      }
    }
    %scan3A_35 = arith.constant 8 : i32
    "tpu.region"() ({
      %run_scoped3A = tpu.sem_alloc : memref<!tpu.dma_semaphore, #tpu.memory_space<semaphore_mem>>
      %dma_start3A_36 = tpu.memref_slice %arg6[%multiple_of3A] : memref<16384xf32, #tpu.memory_space<hbm>> -> memref<512xf32, #tpu.memory_space<hbm>>
      %dma_start3A_37 = tpu.memref_slice %arg6[%multiple_of3A] : memref<16384xf32, #tpu.memory_space<hbm>> -> memref<512xf32, #tpu.memory_space<hbm>>
      tpu.enqueue_dma source(%arg14 : memref<512xf32, #tpu.memory_space<vmem>>) target(%dma_start3A_37 : memref<512xf32, #tpu.memory_space<hbm>>) target_semaphore(%run_scoped3A : memref<!tpu.dma_semaphore, #tpu.memory_space<semaphore_mem>>)
      %dma_wait3A_38 = tpu.memref_slice %arg6[%multiple_of3A] : memref<16384xf32, #tpu.memory_space<hbm>> -> memref<512xf32, #tpu.memory_space<hbm>>
      %dma_wait3A_39 = tpu.memref_slice %arg6[%multiple_of3A] : memref<16384xf32, #tpu.memory_space<hbm>> -> memref<512xf32, #tpu.memory_space<hbm>>
      tpu.wait_dma2 semaphore(%run_scoped3A : memref<!tpu.dma_semaphore, #tpu.memory_space<semaphore_mem>>) src(%arg14 : memref<512xf32, #tpu.memory_space<vmem>>) dst(%dma_wait3A_39 : memref<512xf32, #tpu.memory_space<hbm>>)
      tpu.yield
    }) : () -> ()
    return
  }
}

</mosaic_0001>

<sc_bundles>
// kernel: kernel.3.cloned.1.call-start
scs
__scs_entry_jumppad:
0x0: {  	(pc) =	sbr.rel $0x88, $3  }
0x1: {  	(tag) =	ssettag $0x0;
	lr =	simm.s32 $0x1  }
0x2: {  	[smem:$0x3F9D] =	sst lr;
	_ =	strace $0xD0000000  }
0x3: {  	_ = 	snop  }
0x4: {  	_ = 	snop  }
0x5: {  	_ = 	snop  }
0x6: {  	_ = 	snop  }
0x7: {  	_ = 	snop  }
__scs_overlays_trampoline_lowered:
0x8: {  	[smem:$0x3FAC] =	sst s0  }
0x9: {  	[smem:$0x3FAD] =	sst s1  }
0xa: {  	[smem:$0x3FAE] =	sst s2  }
0xb: {  	[smem:$0x3FAF] =	sst s3  }
0xc: {  	[smem:$0x3FB0] =	sst s4  }
0xd: {  	[smem:$0x3FB1] =	sst s5  }
0xe: {  	[smem:$0x3FB2] =	sst s6  }
0xf: {  	[smem:$0x3FB3] =	sst s7  }
0x10: {  	[smem:$0x3FB4] =	sst s8  }
0x11: {  	[smem:$0x3FB5] =	sst s9;
	s0 =	simm.s32 @!p0 $0x0  }
0x12: {  	s1 =	sld [smem:$0x3F9B];
	s0 =	simm.s32 @p0 $0x1  }
0x13: {  	[smem:$0x3FB6] =	sst s0;
	s0 =	simm.s32 @!p1 $0x0  }
0x14: {  	s2 =	sld [smem:$0x3F9A];
	s0 =	simm.s32 @p1 $0x1  }
0x15: {  	[smem:$0x3FB7] =	sst s0;
	s0 =	simm.s32 @!p2 $0x0  }
0x16: {  	s3 =	sld [smem:$0x3FDB];
	s0 =	simm.s32 @p2 $0x1  }
0x17: {  	s4 =	simm.s32 $0x1BF5;
	[smem:$0x3FB9] =	sst s0  }
0x18: {  	s0 =	sld [smem:$0x3F9C];
	_ =	swait.ge [sflag:s4], $0x0  }
0x19: {  	s7 =	sld [smem:$0x3F9D]  }
0x1a: {  	s8 =	sadd.s32 $0xFFFFE003, lr  }
0x1b: {  	s9 =	sadd.s32 $0xFFFFFEF7, lr;
	s5 =	simm.s32 $0xFFFFFFFF;
	p2 =	slt.u32 s8, $0xFFFFF086  }
0x1c: {  	p1 =	slt.u32 s9, $0xF7A;
	s5 =	simm.s32 @!p2 $0x0  }
0x1d: {  	s5 =	simm.s32 @p1 $0x1;
	p0 =	seq.s32 s7, s2  }
0x1e: {  	s7 =	smul.u32 @!p0 $0xF7A, s2;
	p2 =	seq.s32 @!p0 s5, $0x0  }
0x1f: {  	s9 =	smul.u32 $0xF7A, s1;
	s8 =	simm.s32 @!p0 $0x1BF5;
	p2 =	por !p2, p0  }
0x20: {  	[sflag:s8] =	ssyncset.s32 @!p0 $0xFFFFF086;
	s6 =	sadd.s32 @!p0 s3, s7;
	s7 =	simm.s32 @!p0 $0x108  }
0x21: {  	s3 =	sadd.s32 s3, s9;
	s6 =	sadd.s32 @!p0 $0x88, s6;
	s7 =	simm.s32 @p2 $0x1082  }
0x22: {  	[simem:s7], [sflag:s8] =	dma.local @!p0 [hbm:s6], $0xF7A  }
0x23: {  	s9 =	sor.u32 $0xD0000000, s2;
	s6 =	simm.s32 $0x108;
	_ =	swait.ge @!p0 [sflag:s8], $0x0  }
0x24: {  	s3 =	sadd.s32 $0x88, s3;
	s6 =	simm.s32 @!p1 $0x1082;
	[sflag:s4] =	ssyncset.s32 $0xFFFFF086  }
0x25: {  	[simem:s6], [sflag:s4] =	dma.local [hbm:s3], $0xF7A  }
0x26: {  	[smem:$0x3F9D] =	sst s1;
	(tag) =	ssettag s2;
	_ =	strace s9  }
0x27: {  	s1 =	sld [smem:$0x3FAD]  }
0x28: {  	s2 =	sld [smem:$0x3FAE]  }
0x29: {  	s4 =	sld [smem:$0x3FB0]  }
0x2a: {  	p0 =	seq.s32 s5, $0x0;
	s5 =	sld [smem:$0x3FB1]  }
0x2b: {  	s6 =	sld [smem:$0x3FB2]  }
0x2c: {  	s7 =	sld [smem:$0x3FB3]  }
0x2d: {  	s3 =	simm.s32 $0x108;
	s8 =	sld [smem:$0x3FB4]  }
0x2e: {  	s3 =	simm.s32 @!p0 $0x1082;
	s9 =	sld [smem:$0x3FB5]  }
0x2f: {  	lr =	sadd.s32 s0, s3;
	s0 =	sld [smem:$0x3FAC]  }
0x30: {  	s3 =	sld [smem:$0x3FAF]  }
0x31: {  	[smem:$0x3FB8] =	sst s10  }
0x32: {  	s10 =	sld [smem:$0x3FB6];
	_ =	sdelay $0x3  }
0x33: {  	p0 =	seq.s32 s10, $0x1;
	s10 =	sld [smem:$0x3FB8];
	_ =	sdelay $0x3  }
0x34: {  	[smem:$0x3FB8] =	sst s10  }
0x35: {  	s10 =	sld [smem:$0x3FB7];
	_ =	sdelay $0x3  }
0x36: {  	p1 =	seq.s32 s10, $0x1;
	s10 =	sld [smem:$0x3FB8];
	_ =	sdelay $0x3  }
0x37: {  	[smem:$0x3FB8] =	sst s10  }
0x38: {  	s10 =	sld [smem:$0x3FB9]  }
0x39: {  	_ = 	snop;
	(pc) =	sbr.ind lr, $3  }
0x3a: {  	_ = 	snop  }
0x3b: {  	_ = 	snop  }
0x3c: {  	p2 =	seq.s32 s10, $0x1;
	s10 =	sld [smem:$0x3FB8]  }
0x3d: {  	_ =	shalt  }
0x3e: {  	_ =	shalt  }
0x3f: {  	_ =	shalt  }
0x40: {  	_ =	shalt  }
0x41: {  	_ =	shalt  }
0x42: {  	_ =	shalt  }
0x43: {  	_ =	shalt  }
0x44: {  	_ =	shalt  }
0x45: {  	_ =	shalt  }
0x46: {  	_ =	shalt  }
0x47: {  	_ =	shalt  }
0x48: {  	_ =	shalt  }
0x49: {  	_ =	shalt  }
0x4a: {  	_ =	shalt  }
0x4b: {  	_ =	shalt  }
0x4c: {  	_ =	shalt  }
0x4d: {  	_ =	shalt  }
0x4e: {  	_ =	shalt  }
0x4f: {  	_ =	shalt  }
0x50: {  	_ =	shalt  }
0x51: {  	_ =	shalt  }
0x52: {  	_ =	shalt  }
0x53: {  	_ =	shalt  }
0x54: {  	_ =	shalt  }
0x55: {  	_ =	shalt  }
0x56: {  	_ =	shalt  }
0x57: {  	_ =	shalt  }
0x58: {  	_ =	shalt  }
0x59: {  	_ =	shalt  }
0x5a: {  	_ =	shalt  }
0x5b: {  	_ =	shalt  }
0x5c: {  	_ =	shalt  }
0x5d: {  	_ =	shalt  }
0x5e: {  	_ =	shalt  }
0x5f: {  	_ =	shalt  }
0x60: {  	_ =	shalt  }
0x61: {  	_ =	shalt  }
0x62: {  	_ =	shalt  }
0x63: {  	_ =	shalt  }
0x64: {  	_ =	shalt  }
0x65: {  	_ =	shalt  }
0x66: {  	_ =	shalt  }
0x67: {  	_ =	shalt  }
0x68: {  	_ =	shalt  }
0x69: {  	_ =	shalt  }
0x6a: {  	_ =	shalt  }
0x6b: {  	_ =	shalt  }
0x6c: {  	_ =	shalt  }
0x6d: {  	_ =	shalt  }
0x6e: {  	_ =	shalt  }
0x6f: {  	_ =	shalt  }
0x70: {  	_ =	shalt  }
0x71: {  	_ =	shalt  }
0x72: {  	_ =	shalt  }
0x73: {  	_ =	shalt  }
0x74: {  	_ =	shalt  }
0x75: {  	_ =	shalt  }
0x76: {  	_ =	shalt  }
0x77: {  	_ =	shalt  }
0x78: {  	_ =	shalt  }
0x79: {  	_ =	shalt  }
0x7a: {  	_ =	shalt  }
0x7b: {  	_ =	shalt  }
0x7c: {  	_ =	shalt  }
0x7d: {  	_ =	shalt  }
0x7e: {  	_ =	shalt  }
0x7f: {  	_ =	shalt  }
0x80: {  	_ =	shalt  }
0x81: {  	_ =	shalt  }
0x82: {  	_ =	shalt  }
0x83: {  	_ =	shalt  }
0x84: {  	_ =	shalt  }
0x85: {  	_ =	shalt  }
0x86: {  	_ =	shalt  }
0x87: {  	_ =	shalt  }
.Lfunc_end0:
.L_simem_size_0:
called_computation_lowered:
.L_overlay_start_0:
0x88: {  	s2 =	sld [smem:$0x3FD9]  }
0x89: {  	s3 =	sld [smem:$0x3FFE];
	_ =	sdelay $0x1  }
0x8a: {  	s1 =	srdreg.scid  }
0x8b: {  	s0 =	sand.u32 $0x1, s1  }
0x8c: {  	s17 =	sshll.u32 s0, $0xA;
	s2 =	sadd.s32 s3, s2  }
0x8d: {  	s2 =	sadd.s32 s2, s17  }
0x8e: {  	[smem:$0x3FC4] =	sst s2  }
0x8f: {  	_ = 	snop  }
0x90: {  	s2 =	sld [smem:$0x3FC8]  }
0x91: {  	s18 =	sld [smem:$0x3FD0];
	(tm) =	ssettm $0x1  }
0x92: {  	s4 =	sld [smem:$0x3FFB];
	_ =	sdelay $0x3  }
0x93: {  	_ =	strace s4  }
0x94: {  	s4 =	sld [smem:$0x3FFC];
	_ =	sdelay $0x3  }
0x95: {  	_ =	strace s4  }
0x96: {  	s4 =	sld [smem:$0x3FFD];
	_ =	sdelay $0x3  }
0x97: {  	_ =	strace s4  }
0x98: {  	_ =	strace $0x8FFFFFFF  }
0x99: {  	s19 =	sld [smem:$0x3FDB];
	_ =	sdelay $0x1  }
0x9a: {  	s5 =	simm.s32 $_scs_section_size  }
0x9b: {  	s6 =	simm.s32 $_size__tile_overlayer_lowered;
	s7 =	simm.s32 $_tile_overlayer_lowered  }
0x9c: {  	s22 =	simm.s32 $0x1BFF;
	s21 =	sshll.u32 s7, $0x1;
	s4 =	sadd.s32 s5, s19  }
0x9d: {  	s8 =	simm.s32 $0x0;
	s20 =	sshll.u32 s6, $0x1;
	s6 =	sadd.s32 s21, s4  }
0x9e: {  	[timem:s8], [sflag:s22] =	dma.local [hbm:s6], s20  }
0x9f: {  	_ =	swait.ge [sflag:s22], s20  }
0xa0: {  	s5 =	ssub.s32 $0x0, s20;
	[sflag:s22] =	ssyncset.done $0x0  }
0xa1: {  	[sflag:s22] =	ssyncadd.s32 s5;
	_ =	sdelay $0x1  }
0xa2: {  	s23 =	simm.s32 $0x1B8B  }
0xa3: {  	_ =	swait.ge [sflag:s23], $0x1  }
0xa4: {  	[sflag:s23] =	ssyncset.done $0x0  }
0xa5: {  	s25 =	simm.s32 $0x1B8E;
	s24 =	sld [smem:$0x3FFE];
	[sflag:s23] =	ssyncadd.s32 $0xFFFFFFFF  }
0xa6: {  	s26 =	simm.s32 $execute0_lowered;
	[smem:$0x3FD2] =	sst s25  }
0xa7: {  	s6 =	sshll.u32 s26, $0x1;
	_ =	strace $0x80000046;
	[dreg:$0x1] =	wrdreg $0xFFFFFFFF  }
0xa8: {  	s28 =	simm.s32 $_size_execute0_lowered;
	s4 =	sadd.s32 s4, s6;
	[dreg:$0x0] =	wrdreg $0x0  }
0xa9: {  	s6 =	sshll.u32 s28, $0x1;
	[dreg:$0x2] =	wrdreg s4  }
0xaa: {  	[dreg:$0x3] =	wrdreg s6  }
0xab: {  	[dreg:$0x4] =	wrdreg $0xC0  }
0xac: {  	_ =	task [dreg:s8], $0x5FFFF  }
0xad: {  	[dreg:$0x1] =	wrdreg $0xFFFFFFFF  }
0xae: {  	[dreg:$0x0] =	wrdreg $0x60  }
0xaf: {  	[dreg:$0x2] =	wrdreg s2  }
0xb0: {  	[dreg:$0x3] =	wrdreg s24  }
0xb1: {  	[dreg:$0x4] =	wrdreg s18  }
0xb2: {  	[dreg:$0x5] =	wrdreg $0x9  }
0xb3: {  	_ =	task.clear_ibuf [dreg:s8], $0x6FFFF;
	_ =	strace $0x90000046  }
0xb4: {  	s29 =	simm.s32 $0x9;
	_ =	strace $0x80000048  }
0xb5: {  	_ =	swait.ge [sflag:s29], $0x1  }
0xb6: {  	[sflag:s29] =	ssyncadd.s32 $0xFFFFFFFF  }
0xb7: {  	_ =	strace $0x90000048  }
0xb8: {  	_ =	sfence  }
0xb9: {  	s30 =	sld [smem:$0x0];
	_ =	sdelay $0x2  }
0xba: {  	s31 =	sshll.u32 s1, $0xD;
	s1 =	sshrl.u32 s1, $0x2  }
0xbb: {  	s3 =	sand.u32 $0x4000, s31;
	s1 =	sadd.s32 s1, s30  }
0xbc: {  	s0 =	sor.u32 s3, s0;
	s1 =	sshll.u32 s1, $0x11  }
0xbd: {  	s0 =	sor.u32 s1, s0  }
0xbe: {  	s0 =	sadd.s32 $0x8F2B, s0  }
0xbf: {  	[sflag:s0] =	ssyncadd.remote.s32 $0x1  }
0xc0: {  	_ =	sfence.sel $0xFFFF  }
0xc1: {  	[dreg:$0x0] =	wrdreg $0xFFFFFFFF;
	(pc) =	sbr.abs _section_cstart, $3  }
0xc2: {  	[dreg:$0x1] =	wrdreg $0xFFFFFFFF  }
0xc3: {  	_ =	task.clear_ibuf [dreg:s8], $0x2FFFF;
	_ =	strace $0x9FFFFFFF  }
0xc4: {  	(tm) =	ssettm $0x7FFFFFFF  }
0xc5: {  	_ =	shalt  }
tec
execute0_lowered:
.L_overlay_start_1:
0x0: {  	(tag) =	ssettag $0x1  }
0x1: {  	vm0 =	vcmask $0xB08  }
0x2: {  	vm1 =	vcmask $0x300;
	v2 =	vlaneseq.u32;
	v3 =	vimm.s32 $0xEFCDAB89  }
0x3: {  	v4 =	vimm.s32 $0x67452301;
	vm2 =	vcmask $0x3330;
	v5 =	vimm.s32 $0xDCFE98BA  }
0x4: {  	v6 =	vimm.s32 $0xBA98FEDC;
	v7 =	vimm.s32 $0x32107654;
	vm3 =	vcmask $0x700  }
0x5: {  	vm4 =	vcmask $0xF00;
	vm0 =	vmor vm1, vm0;
	vm1 =	vcmask $0x1310  }
0x6: {  	v0 =	vand.u32 $0x7, v2;
	v1 =	vshrl.u32 v2, $0x3;
	v3 =	vunpack.c.l.s4.s8 v3  }
0x7: {  	s0 =	rddreg [dreg:$0x0];
	v4 =	vunpack.c.l.s4.s8 v4;
	v2 =	vor.u32 $0x8, v2;
	v6 =	vunpack.c.l.s4.s8 v6  }
0x8: {  	s1 =	rddreg [dreg:$0x1];
	v7 =	vunpack.c.l.s4.s8 v7;
	vm0 =	vmor vm0, vm1;
	vm1 =	vcmask $0x1B18  }
0x9: {  	s2 =	rddreg [dreg:$0x2];
	s3 =	srdreg.scid;
	vm0 =	vmor vm0, vm1;
	v3 =	vunpack.c.0.s8.s32 v3;
	v4 =	vunpack.c.0.s8.s32 v4  }
0xa: {  	s5 =	stileid.u32;
	s12 =	simm.s32 $0x1;
	s13 =	simm.s32 $0x2;
	vm1 =	vcmask $0x2320;
	v6 =	vunpack.c.0.s8.s32 v6;
	v7 =	vunpack.c.0.s8.s32 v7  }
0xb: {  	s18 =	simm.s32 $0x3;
	s8 =	simm.s32 $0xC080;
	s9 =	simm.s32 $0xC880;
	v3 =	vcombine.low v4, v3;
	v4 =	vunpack.c.l.s4.s8 v5;
	v5 =	vimm.s32 $0x54761032  }
0xc: {  	s14 =	simm.s32 $0xD080;
	s15 =	simm.s32 $0xD880;
	s16 =	simm.s32 $0xE080;
	vm0 =	vmor vm0, vm1;
	vm1 =	vcmask $0x2B28;
	v5 =	vunpack.c.l.s4.s8 v5  }
0xd: {  	s17 =	simm.s32 $0xE880;
	s19 =	simm.s32 $0xF080;
	s20 =	simm.s32 $0xF880;
	v1 =	vmul.u32 $0x8, v1;
	vm1 =	vmor vm0, vm1;
	vm0 =	vmmov $0xffff  }
0xe: {  	s21 =	simm.s32 $0x10080;
	s22 =	simm.s32 $0x4;
	s4 =	sand.u32 $0x1, s3;
	v6 =	vcombine.low v7, v6;
	v4 =	vunpack.c.0.s8.s32 v4;
	v5 =	vunpack.c.0.s8.s32 v5  }
0xf: {  	s3 =	simm.s32 $0x0;
	s5 =	sshll.u32 s5, $0x7;
	s6 =	sshll.u32 s4, $0x6;
	v7 =	vimm.s32 $0x76543210;
	vm1 =	vmor vm1, vm2;
	vm2 =	vcmask $0x3B38  }
0x10: {  	[smem:$0x7FF] =	sst s3;
	s4 =	ssub.s32 $0x2, s4;
	s5 =	sor.u32 s6, s5;
	v7 =	vunpack.c.l.s4.s8 v7;
	v4 =	vcombine.low v5, v4;
	v5 =	vimm.s32 $0xFEDCBA98  }
0x11: {  	_ =	strace $0x80000047;
	s6 =	sadd.s32 s5, s1;
	s1 =	sadd.s32 $0x1600, s1;
	vm1 =	vmor vm1, vm2;
	vm2 =	vcmask $0x1710;
	v5 =	vunpack.c.l.s4.s8 v5  }
.Ltmp0:
0x12: {  	s2 =	sadd.s32 s2, s5;
	[dreg:$0x4] =	wrdreg s1;
	v3 =	vand.u32 $0xF, v3;
	vm2 =	vmor vm3, vm2;
	vm3 =	vcmask $0x2720;
	(pc) =	sbr.rel .LBB2_1-.Ltmp0, $4  }
0x13: {  	s7 =	sshrl.u32 s4, $0x1;
	s30 =	sadd.s32 $0xE00, s6;
	[dreg:$0x7] =	wrdreg s2;
	vm2 =	vmor vm2, vm3;
	vm3 =	vcmask $0x3730;
	v5 =	vunpack.c.0.s8.s32 v5  }
0x14: {  	s29 =	ssub.s32 s4, s7;
	s31 =	sadd.s32 $0x600, s6;
	[dreg:$0x5] =	wrdreg s30;
	v7 =	vunpack.c.0.s8.s32 v7;
	vm2 =	vmor vm2, vm3;
	vm3 =	vcmask $0x2F20  }
0x15: {  	s7 =	sadd.s32 $0x100, s0;
	s1 =	smax.u32 s29, $0x1;
	[dreg:$0x6] =	wrdreg s31;
	vm3 =	vmor vm4, vm3;
	vm4 =	vmmov $0xff;
	v8 =	vand.u32 $0xF, v5  }
0x16: {  	s4 =	simm.s32 $0x0;
	s6 =	simm.s32 $0xB880;
	[dreg:$0x8] =	wrdreg s1;
	v4 =	vand.u32 $0xF, v4;
	v5 =	vand.u32 $0xF, v6;
	v6 =	vcombine.low v8, v7  }
.LBB2_14:
0x17: {  	s1 =	rddreg [dreg:$0x7];
	s2 =	simm.s32 $0x10880;
	s30 =	simm.s32 $0x5  }
0x18: {  	[hbm4b:s1+s3] =	stream.linear.scatter [tilespmem:s2], [sflag:$0x5], $0x200, $0x38;
	[tilespmem:$0x10A80] =	vst v63  }
0x19: {  	_ =	swait.ge [sflag:s30], $0x200  }
0x1a: {  	s4 =	rddreg [dreg:$0x9]  }
0x1b: {  	s31 =	rddreg [dreg:$0x8];
	s4 =	sadd.s32 $0x1, s4  }
0x1c: {  	p0 =	sne.s32 s4, s31  }
.Ltmp1:
0x1d: {  	_ = 	snop;
	(pc) =	sbr.rel @!p0 .LBB2_15-.Ltmp1, $3  }
0x1e: {  	_ =	sdelay $0x1  }
0x1f: {  	[sflag:s30] =	ssyncset.done $0x0  }
0x20: {  	[sflag:s30] =	ssyncadd.s32 $0xFFFFFE00  }
.LBB2_1:
0x21: {  	[dreg:$0x9] =	wrdreg s4  }
0x22: {  	s1 =	rddreg [dreg:$0x4]  }
0x23: {  	[tilespmem:s3], [sflag:$0x1] =	stream.linear.gather [hbm4b:s1+s3], $0x480, $0x38;
	[tilespmem:$0x10A80] =	vst v63  }
0x24: {  	s4 =	rddreg [dreg:$0x5];
	s2 =	simm.s32 $0x480  }
0x25: {  	[tilespmem:s2], [sflag:$0x2] =	stream.linear.gather [hbm4b:s4+s3], $0x200, $0x38;
	[tilespmem:$0x10A80] =	vst v63  }
0x26: {  	s5 =	rddreg [dreg:$0x6];
	s10 =	simm.s32 $0x680  }
0x27: {  	[tilespmem:s10], [sflag:$0x3] =	stream.linear.gather [hbm4b:s5+s3], $0x200, $0x38;
	[tilespmem:$0x10A80] =	vst v63  }
0x28: {  	_ =	swait.ge [sflag:s12], $0x480  }
0x29: {  	[sflag:s12] =	ssyncset.done $0x0  }
0x2a: {  	[sflag:s12] =	ssyncadd.s32 $0xFFFFFB80  }
0x2b: {  	_ =	swait.ge [sflag:s13], $0x200  }
0x2c: {  	[sflag:s13] =	ssyncset.done $0x0  }
0x2d: {  	[sflag:s13] =	ssyncadd.s32 $0xFFFFFE00  }
0x2e: {  	_ =	swait.ge [sflag:s18], $0x200  }
0x2f: {  	[sflag:s18] =	ssyncset.done $0x0  }
0x30: {  	[sflag:s18] =	ssyncadd.s32 $0xFFFFFE00  }
0x31: {  	v7 =	vld [tilespmem:$0x480];
	_ =	sdelay $0x4  }
0x32: {  	v8 =	vshll.u32 v7, $0x2  }
0x33: {  	v7 =	vand.u32 $0x7, v7;
	v8 =	vand.u32 $0xFFFFFFE0, v8  }
0x34: {  	v7 =	vor.u32 v7, v8  }
0x35: {  	v8 =	vperm.xlane v7, v0;
	_ =	sdelay $0x1  }
0x36: {  	v8 =	vadd.s32 v1, v8;
	_ =	sdelay $0x1  }
0x37: {  	v9 =	vperm.xlane v7, v2;
	_ =	sdelay $0x1  }
0x38: {  	s11 =	simm.s32 $0x880;
	v9 =	vadd.s32 v1, v9  }
0x39: {  	v7 =	vld [tilespmem:$0x400];
	[tilespmem:s11], [sflag:$0x1] =	stream.indirect_vreg.gather [hbm4b:s0+s3], $0x80, v8, vm0, $0xb8  }
0x3a: {  	s23 =	simm.s32 $0x1080  }
0x3b: {  	[tilespmem:s23], [sflag:$0x1] =	stream.indirect_vreg.gather [hbm4b:s7+s3], $0x80, v8, vm0, $0xb8;
	[tilespmem:$0x10A80] =	vst v63  }
0x3c: {  	s24 =	simm.s32 $0x1880  }
0x3d: {  	[tilespmem:s24], [sflag:$0x1] =	stream.indirect_vreg.gather [hbm4b:s0+s3], $0x80, v9, vm0, $0xb8;
	[tilespmem:$0x10A80] =	vst v63  }
0x3e: {  	s25 =	simm.s32 $0x2080  }
0x3f: {  	[tilespmem:s25], [sflag:$0x1] =	stream.indirect_vreg.gather [hbm4b:s7+s3], $0x80, v9, vm0, $0xb8;
	[tilespmem:$0x10A80] =	vst v63  }
0x40: {  	v8 =	vld [tilespmem:$0x490];
	_ =	sdelay $0x4  }
0x41: {  	v57 =	vshll.u32 v8, $0x2  }
0x42: {  	v8 =	vand.u32 $0x7, v8;
	v9 =	vand.u32 $0xFFFFFFE0, v57  }
0x43: {  	v8 =	vor.u32 v8, v9  }
0x44: {  	v9 =	vperm.xlane v8, v0;
	_ =	sdelay $0x1  }
0x45: {  	v9 =	vadd.s32 v1, v9;
	_ =	sdelay $0x1  }
0x46: {  	v8 =	vperm.xlane v8, v2;
	_ =	sdelay $0x1  }
0x47: {  	s26 =	simm.s32 $0x2880;
	v8 =	vadd.s32 v1, v8  }
0x48: {  	[tilespmem:s26], [sflag:$0x1] =	stream.indirect_vreg.gather [hbm4b:s0+s3], $0x80, v9, vm0, $0xb8;
	[tilespmem:$0x10A80] =	vst v63  }
0x49: {  	s28 =	simm.s32 $0x3080  }
0x4a: {  	[tilespmem:s28], [sflag:$0x1] =	stream.indirect_vreg.gather [hbm4b:s7+s3], $0x80, v9, vm0, $0xb8;
	[tilespmem:$0x10A80] =	vst v63  }
0x4b: {  	s29 =	simm.s32 $0x3880  }
0x4c: {  	[tilespmem:s29], [sflag:$0x1] =	stream.indirect_vreg.gather [hbm4b:s0+s3], $0x80, v8, vm0, $0xb8;
	[tilespmem:$0x10A80] =	vst v63  }
0x4d: {  	s30 =	simm.s32 $0x4080  }
0x4e: {  	[tilespmem:s30], [sflag:$0x1] =	stream.indirect_vreg.gather [hbm4b:s7+s3], $0x80, v8, vm0, $0xb8;
	[tilespmem:$0x10A80] =	vst v63  }
0x4f: {  	v8 =	vld [tilespmem:$0x680];
	_ =	sdelay $0x4  }
0x50: {  	v58 =	vshll.u32 v8, $0x2  }
0x51: {  	v8 =	vand.u32 $0x7, v8;
	v9 =	vand.u32 $0xFFFFFFE0, v58  }
0x52: {  	v8 =	vor.u32 v8, v9  }
0x53: {  	v9 =	vperm.xlane v8, v0;
	_ =	sdelay $0x1  }
0x54: {  	v9 =	vadd.s32 v1, v9;
	_ =	sdelay $0x1  }
0x55: {  	v8 =	vperm.xlane v8, v2;
	_ =	sdelay $0x1  }
0x56: {  	s31 =	simm.s32 $0x4880;
	v8 =	vadd.s32 v1, v8  }
0x57: {  	[tilespmem:s31], [sflag:$0x2] =	stream.indirect_vreg.gather [hbm4b:s0+s3], $0x80, v9, vm0, $0xb8;
	[tilespmem:$0x10A80] =	vst v63  }
0x58: {  	s2 =	simm.s32 $0x5080  }
0x59: {  	[tilespmem:s2], [sflag:$0x2] =	stream.indirect_vreg.gather [hbm4b:s7+s3], $0x80, v9, vm0, $0xb8;
	[tilespmem:$0x10A80] =	vst v63  }
0x5a: {  	s4 =	simm.s32 $0x5880  }
0x5b: {  	[tilespmem:s4], [sflag:$0x2] =	stream.indirect_vreg.gather [hbm4b:s0+s3], $0x80, v8, vm0, $0xb8;
	[tilespmem:$0x10A80] =	vst v63  }
0x5c: {  	s5 =	simm.s32 $0x6080  }
0x5d: {  	[tilespmem:s5], [sflag:$0x2] =	stream.indirect_vreg.gather [hbm4b:s7+s3], $0x80, v8, vm0, $0xb8;
	[tilespmem:$0x10A80] =	vst v63  }
0x5e: {  	v8 =	vld [tilespmem:$0x690];
	_ =	sdelay $0x4  }
0x5f: {  	v59 =	vshll.u32 v8, $0x2  }
0x60: {  	v8 =	vand.u32 $0x7, v8;
	v9 =	vand.u32 $0xFFFFFFE0, v59  }
0x61: {  	v8 =	vor.u32 v8, v9  }
0x62: {  	v9 =	vperm.xlane v8, v0;
	_ =	sdelay $0x1  }
0x63: {  	v9 =	vadd.s32 v1, v9;
	_ =	sdelay $0x1  }
0x64: {  	v8 =	vperm.xlane v8, v2;
	_ =	sdelay $0x1  }
0x65: {  	s10 =	simm.s32 $0x6880;
	v8 =	vadd.s32 v1, v8  }
0x66: {  	[tilespmem:s10], [sflag:$0x2] =	stream.indirect_vreg.gather [hbm4b:s0+s3], $0x80, v9, vm0, $0xb8;
	[tilespmem:$0x10A80] =	vst v63  }
0x67: {  	s11 =	simm.s32 $0x7080  }
0x68: {  	[tilespmem:s11], [sflag:$0x2] =	stream.indirect_vreg.gather [hbm4b:s7+s3], $0x80, v9, vm0, $0xb8;
	[tilespmem:$0x10A80] =	vst v63  }
0x69: {  	s23 =	simm.s32 $0x7880  }
0x6a: {  	[tilespmem:s23], [sflag:$0x2] =	stream.indirect_vreg.gather [hbm4b:s0+s3], $0x80, v8, vm0, $0xb8;
	[tilespmem:$0x10A80] =	vst v63  }
0x6b: {  	s24 =	simm.s32 $0x8080  }
0x6c: {  	[tilespmem:s24], [sflag:$0x2] =	stream.indirect_vreg.gather [hbm4b:s7+s3], $0x80, v8, vm0, $0xb8;
	[tilespmem:$0x10A80] =	vst v63  }
0x6d: {  	v8 =	vld [tilespmem:$0x4A0];
	_ =	sdelay $0x4  }
0x6e: {  	v60 =	vshll.u32 v8, $0x2  }
0x6f: {  	v8 =	vand.u32 $0x7, v8;
	v9 =	vand.u32 $0xFFFFFFE0, v60  }
0x70: {  	v8 =	vor.u32 v8, v9  }
0x71: {  	v9 =	vperm.xlane v8, v0;
	_ =	sdelay $0x1  }
0x72: {  	v9 =	vadd.s32 v1, v9;
	_ =	sdelay $0x1  }
0x73: {  	v8 =	vperm.xlane v8, v2;
	_ =	sdelay $0x1  }
0x74: {  	s25 =	simm.s32 $0x8880;
	v8 =	vadd.s32 v1, v8  }
0x75: {  	[tilespmem:s25], [sflag:$0x3] =	stream.indirect_vreg.gather [hbm4b:s0+s3], $0x80, v9, vm0, $0xb8;
	[tilespmem:$0x10A80] =	vst v63  }
0x76: {  	s26 =	simm.s32 $0x9080  }
0x77: {  	[tilespmem:s26], [sflag:$0x3] =	stream.indirect_vreg.gather [hbm4b:s7+s3], $0x80, v9, vm0, $0xb8;
	[tilespmem:$0x10A80] =	vst v63  }
0x78: {  	s28 =	simm.s32 $0x9880  }
0x79: {  	[tilespmem:s28], [sflag:$0x3] =	stream.indirect_vreg.gather [hbm4b:s0+s3], $0x80, v8, vm0, $0xb8;
	[tilespmem:$0x10A80] =	vst v63  }
0x7a: {  	s29 =	simm.s32 $0xA080  }
0x7b: {  	[tilespmem:s29], [sflag:$0x3] =	stream.indirect_vreg.gather [hbm4b:s7+s3], $0x80, v8, vm0, $0xb8;
	[tilespmem:$0x10A80] =	vst v63  }
0x7c: {  	v8 =	vld [tilespmem:$0x4B0];
	_ =	sdelay $0x4  }
0x7d: {  	v61 =	vshll.u32 v8, $0x2  }
0x7e: {  	v8 =	vand.u32 $0x7, v8;
	v9 =	vand.u32 $0xFFFFFFE0, v61  }
0x7f: {  	v8 =	vor.u32 v8, v9  }
0x80: {  	v9 =	vperm.xlane v8, v0;
	_ =	sdelay $0x1  }
0x81: {  	v9 =	vadd.s32 v1, v9;
	_ =	sdelay $0x1  }
0x82: {  	v8 =	vperm.xlane v8, v2;
	_ =	sdelay $0x1  }
0x83: {  	s30 =	simm.s32 $0xA880;
	v8 =	vadd.s32 v1, v8  }
0x84: {  	[tilespmem:s30], [sflag:$0x3] =	stream.indirect_vreg.gather [hbm4b:s0+s3], $0x80, v9, vm0, $0xb8;
	[tilespmem:$0x10A80] =	vst v63  }
0x85: {  	s31 =	simm.s32 $0xB080  }
0x86: {  	[tilespmem:s31], [sflag:$0x3] =	stream.indirect_vreg.gather [hbm4b:s7+s3], $0x80, v9, vm0, $0xb8;
	[tilespmem:$0x10A80] =	vst v63  }
0x87: {  	_ = 	snop  }
0x88: {  	[tilespmem:s6], [sflag:$0x3] =	stream.indirect_vreg.gather [hbm4b:s0+s3], $0x80, v8, vm0, $0xb8;
	[tilespmem:$0x10A80] =	vst v63  }
0x89: {  	_ = 	snop  }
0x8a: {  	[tilespmem:s8], [sflag:$0x3] =	stream.indirect_vreg.gather [hbm4b:s7+s3], $0x80, v8, vm0, $0xb8;
	[tilespmem:$0x10A80] =	vst v63  }
0x8b: {  	v8 =	vld [tilespmem:$0x6A0];
	_ =	sdelay $0x4  }
0x8c: {  	v62 =	vshll.u32 v8, $0x2  }
0x8d: {  	v8 =	vand.u32 $0x7, v8;
	v9 =	vand.u32 $0xFFFFFFE0, v62  }
0x8e: {  	v8 =	vor.u32 v8, v9  }
0x8f: {  	v9 =	vperm.xlane v8, v0;
	_ =	sdelay $0x1  }
0x90: {  	v9 =	vadd.s32 v1, v9;
	_ =	sdelay $0x1  }
0x91: {  	v8 =	vperm.xlane v8, v2;
	_ =	sdelay $0x1  }
0x92: {  	v8 =	vadd.s32 v1, v8  }
0x93: {  	[tilespmem:s9], [sflag:$0x4] =	stream.indirect_vreg.gather [hbm4b:s0+s3], $0x80, v9, vm0, $0xb8;
	[tilespmem:$0x10A80] =	vst v63  }
0x94: {  	_ = 	snop  }
0x95: {  	[tilespmem:s14], [sflag:$0x4] =	stream.indirect_vreg.gather [hbm4b:s7+s3], $0x80, v9, vm0, $0xb8;
	[tilespmem:$0x10A80] =	vst v63  }
0x96: {  	_ = 	snop  }
0x97: {  	[tilespmem:s15], [sflag:$0x4] =	stream.indirect_vreg.gather [hbm4b:s0+s3], $0x80, v8, vm0, $0xb8;
	[tilespmem:$0x10A80] =	vst v63  }
0x98: {  	_ = 	snop  }
0x99: {  	[tilespmem:s16], [sflag:$0x4] =	stream.indirect_vreg.gather [hbm4b:s7+s3], $0x80, v8, vm0, $0xb8;
	[tilespmem:$0x10A80] =	vst v63  }
0x9a: {  	v8 =	vld [tilespmem:$0x6B0];
	_ =	sdelay $0x4  }
0x9b: {  	v63 =	vshll.u32 v8, $0x2  }
0x9c: {  	v8 =	vand.u32 $0x7, v8;
	v9 =	vand.u32 $0xFFFFFFE0, v63  }
0x9d: {  	v8 =	vor.u32 v8, v9  }
0x9e: {  	v9 =	vperm.xlane v8, v0;
	_ =	sdelay $0x1  }
0x9f: {  	v9 =	vadd.s32 v1, v9;
	_ =	sdelay $0x1  }
0xa0: {  	v8 =	vperm.xlane v8, v2;
	_ =	sdelay $0x1  }
0xa1: {  	v8 =	vadd.s32 v1, v8  }
0xa2: {  	[tilespmem:s17], [sflag:$0x4] =	stream.indirect_vreg.gather [hbm4b:s0+s3], $0x80, v9, vm0, $0xb8;
	[tilespmem:$0x10A80] =	vst v63  }
0xa3: {  	_ = 	snop  }
0xa4: {  	[tilespmem:s19], [sflag:$0x4] =	stream.indirect_vreg.gather [hbm4b:s7+s3], $0x80, v9, vm0, $0xb8;
	[tilespmem:$0x10A80] =	vst v63  }
0xa5: {  	_ = 	snop  }
0xa6: {  	[tilespmem:s20], [sflag:$0x4] =	stream.indirect_vreg.gather [hbm4b:s0+s3], $0x80, v8, vm0, $0xb8;
	[tilespmem:$0x10A80] =	vst v63  }
0xa7: {  	s23 =	simm.s32 $0x0  }
0xa8: {  	[tilespmem:s21], [sflag:$0x4] =	stream.indirect_vreg.gather [hbm4b:s7+s3], $0x80, v8, vm0, $0xb8;
	[tilespmem:$0x10A80] =	vst v63  }
.LBB2_2:
0xa9: {  	_ =	swait.ge [sflag:s12], $0x4000  }
0xaa: {  	[sflag:s12] =	ssyncset.done $0x0  }
0xab: {  	s24 =	sshll.u32 s23, $0x6;
	[sflag:s12] =	ssyncadd.s32 $0xFFFFC000  }
0xac: {  	s25 =	sand.u32 $0x3FFFFFC0, s24;
	_ =	swait.ge [sflag:s13], $0x4000  }
0xad: {  	s26 =	simm.s32 $0x0;
	s1 =	sadd.s32 $0x10880, s25;
	[sflag:s13] =	ssyncset.done $0x0  }
0xae: {  	p1 =	por $0x1, $0x1;
	s28 =	simm.s32 $0x0;
	v8 =	vmov s1;
	[sflag:s13] =	ssyncadd.s32 $0xFFFFC000  }
.LBB2_3:
0xaf: {  	s29 =	sshll.u32 s28, $0xD;
	s2 =	sand.u32 $0xC00, s26  }
0xb0: {  	s1 =	sand.u32 $0x1F0, s26;
	s10 =	sand.u32 $0x70, s26;
	v10 =	vld [tilespmem:s26+$0x0];
	s4 =	sor.u32 s29, s2  }
0xb1: {  	v9 =	vld [tilespmem:s1+$0x200];
	s30 =	sor.u32 s10, s4  }
0xb2: {  	v11 =	vld [tilespmem:s30+$0x4880]  }
0xb3: {  	v12 =	vld [tilespmem:s30+$0x4900]  }
0xb4: {  	v13 =	vld [tilespmem:s30+$0x4980]  }
0xb5: {  	v15 =	vld [tilespmem:s30+$0x4A80]  }
0xb6: {  	v16 =	vld [tilespmem:s30+$0x4B00]  }
0xb7: {  	v17 =	vld [tilespmem:s30+$0x4B80]  }
0xb8: {  	v19 =	vld [tilespmem:s30+$0x5880]  }
0xb9: {  	v20 =	vld [tilespmem:s30+$0x5900]  }
0xba: {  	v21 =	vld [tilespmem:s30+$0x5980]  }
0xbb: {  	v23 =	vld [tilespmem:s30+$0x5A80]  }
0xbc: {  	s5 =	sand.u32 $0xFFFFFC00, s26;
	s10 =	sadd.s32 $0x0, s29;
	v24 =	vld [tilespmem:s30+$0x880]  }
0xbd: {  	s1 =	sadd.s32 s5, s10;
	v25 =	vld [tilespmem:s30+$0x900]  }
0xbe: {  	s31 =	sor.u32 s26, s10;
	v26 =	vld [tilespmem:s30+$0x980];
	s11 =	sor.u32 $0x180, s1  }
0xbf: {  	s2 =	sor.u32 $0x380, s31;
	v14 =	vld [tilespmem:s11+$0x4880]  }
0xc0: {  	s1 =	sor.u32 $0x1180, s1;
	v18 =	vld [tilespmem:s2+$0x4880];
	v11 =	vmul.f32 v11, v9;
	v12 =	vmul.f32 v12, v9  }
0xc1: {  	v22 =	vld [tilespmem:s1+$0x4880];
	v13 =	vmul.f32 v13, v9;
	v35 =	vmul.f32 v15, v9  }
0xc2: {  	v36 =	vmul.f32 v16, v9;
	v15 =	vld [tilespmem:s11+$0x880];
	v33 =	vmul.f32 v17, v9  }
0xc3: {  	v17 =	vld [tilespmem:s30+$0x5B00];
	v31 =	vmul.f32 v19, v9;
	v32 =	vmul.f32 v20, v9  }
0xc4: {  	v29 =	vmul.f32 v21, v9;
	v19 =	vld [tilespmem:s30+$0xB00];
	v20 =	vmul.f32 v23, v9  }
0xc5: {  	v21 =	vld [tilespmem:s30+$0xB80];
	v23 =	vmul.f32 v25, v10;
	v26 =	vmul.f32 v26, v10  }
0xc6: {  	v28 =	vimm.f32 $0.0e+00;
	v14 =	vmul.f32 v14, v9;
	v34 =	vmul.f32 v18, v9;
	v18 =	vld [tilespmem:s30+$0xA80]  }
0xc7: {  	v27 =	vimm.f32 $0.0e+00;
	v30 =	vmul.f32 v22, v9;
	v22 =	vmul.f32 v24, v10  }
0xc8: {  	v16 =	vimm.f32 $0.0e+00;
	v24 =	vld [tilespmem:s2+$0x880];
	v15 =	vmul.f32 v15, v10;
	v25 =	vmul.f32 v17, v9  }
0xc9: {  	v17 =	vadd.f32 v22, v16;
	v22 =	vadd.f32 v23, v16;
	v43 =	vmul.f32 v19, v10  }
0xca: {  	v44 =	vmul.f32 v21, v10;
	v23 =	vimm.f32 $0.0e+00;
	v21 =	vimm.f32 $0.0e+00  }
0xcb: {  	v40 =	vld [tilespmem:s30+$0x1880];
	v42 =	vmul.f32 v18, v10;
	v18 =	vadd.f32 v26, v16;
	v15 =	vadd.f32 v15, v16  }
0xcc: {  	v41 =	vld [tilespmem:s30+$0x1900];
	v19 =	vimm.f32 $0.0e+00;
	v11 =	vadd.f32 v11, v17;
	v12 =	vadd.f32 v12, v22  }
0xcd: {  	v38 =	vld [tilespmem:s30+$0x1980];
	v45 =	vmul.f32 v24, v10;
	v26 =	vimm.f32 $0.0e+00;
	v24 =	vimm.f32 $0.0e+00  }
0xce: {  	p0 =	por p1, p1;
	v39 =	vld [tilespmem:s1+$0x880];
	v22 =	vimm.f32 $0.0e+00;
	v17 =	vimm.f32 $0.0e+00;
	v13 =	vadd.f32 v13, v18  }
0xcf: {  	v37 =	vld [tilespmem:s30+$0x1A80];
	s10 =	simm.s32 $0x0;
	s1 =	simm.s32 $0x10;
	s2 =	simm.s32 $0x0;
	v14 =	vadd.f32 v14, v15;
	v15 =	vimm.f32 $0.0e+00;
	v18 =	vimm.f32 $0.0e+00  }
.LBB2_4:
0xd0: {  	p1 =	sne.s32 s1, $0x1F0;
	v16 =	vadd.f32 v42, v16;
	v28 =	vadd.f32 v43, v28;
	v40 =	vmul.f32 v40, v10;
	v42 =	vld [tilespmem:s30+$0x1B00]  }
0xd1: {  	v26 =	vadd.f32 v44, v26;
	s31 =	sor.u32 $0x1380, s31;
	v27 =	vadd.f32 v45, v27;
	v41 =	vmul.f32 v41, v10;
	v43 =	vld [tilespmem:s30+$0x1B80]  }
0xd2: {  	v16 =	vadd.f32 v35, v16;
	v28 =	vadd.f32 v36, v28;
	v35 =	vmul.f32 v38, v10;
	v36 =	vld [tilespmem:s31+$0x880]  }
0xd3: {  	s2 =	sadd.s32 $0x80, s2;
	v26 =	vadd.f32 v33, v26;
	v27 =	vadd.f32 v34, v27;
	v33 =	vmul.f32 v39, v10;
	v34 =	vld [tilespmem:s30+$0x5B80]  }
0xd4: {  	s11 =	sand.u32 $0xC00, s2;
	v23 =	vadd.f32 v40, v23;
	s30 =	sand.u32 $0x1F0, s1;
	v24 =	vadd.f32 v41, v24;
	v37 =	vmul.f32 v37, v10;
	v38 =	vld [tilespmem:s31+$0x4880]  }
0xd5: {  	s10 =	sadd.s32 $0x10, s10;
	s11 =	sor.u32 s29, s11;
	s31 =	sand.u32 $0x70, s1;
	v21 =	vadd.f32 v35, v21;
	v39 =	vld [tilespmem:s30+$0x200];
	v22 =	vadd.f32 v33, v22;
	v33 =	vmul.f32 v42, v10  }
0xd6: {  	v23 =	vadd.f32 v31, v23;
	s30 =	sor.u32 s31, s11;
	v24 =	vadd.f32 v32, v24;
	v35 =	vld [tilespmem:s10+$0x0];
	v31 =	vmul.f32 v43, v10  }
0xd7: {  	s11 =	sand.u32 $0xFFFFFC00, s2;
	s31 =	sadd.s32 s1, s29;
	v21 =	vadd.f32 v29, v21;
	v32 =	vld [tilespmem:s30+$0x4880];
	v22 =	vadd.f32 v30, v22;
	v10 =	vmul.f32 v36, v10  }
0xd8: {  	s11 =	sadd.s32 s11, s31;
	v15 =	vadd.f32 v37, v15;
	v19 =	vadd.f32 v33, v19;
	v29 =	vld [tilespmem:s30+$0x4900];
	v30 =	vmul.f32 v34, v9  }
0xd9: {  	s4 =	sor.u32 $0x180, s11;
	v17 =	vadd.f32 v31, v17;
	v33 =	vld [tilespmem:s30+$0x4980];
	v34 =	vadd.f32 v10, v18;
	v18 =	vmul.f32 v38, v9  }
0xda: {  	v15 =	vadd.f32 v20, v15;
	v19 =	vadd.f32 v25, v19;
	v31 =	vld [tilespmem:s4+$0x4880];
	v9 =	vmov v39  }
0xdb: {  	s31 =	sadd.s32 s2, s29;
	v17 =	vadd.f32 v30, v17;
	v20 =	vld [tilespmem:s30+$0x4A80];
	v18 =	vadd.f32 v18, v34;
	v10 =	vmov v35  }
0xdc: {  	s31 =	sor.u32 s1, s31;
	v25 =	vld [tilespmem:s30+$0x4B00]  }
0xdd: {  	s5 =	sor.u32 $0x380, s31;
	v30 =	vld [tilespmem:s30+$0x4B80]  }
0xde: {  	v34 =	vld [tilespmem:s5+$0x4880]  }
0xdf: {  	v37 =	vld [tilespmem:s30+$0x5880]  }
0xe0: {  	v38 =	vld [tilespmem:s30+$0x5900]  }
0xe1: {  	s11 =	sor.u32 $0x1180, s11;
	v39 =	vld [tilespmem:s30+$0x5980]  }
0xe2: {  	v40 =	vld [tilespmem:s11+$0x4880]  }
0xe3: {  	v41 =	vld [tilespmem:s30+$0x5A80]  }
0xe4: {  	v42 =	vld [tilespmem:s30+$0x5B00]  }
0xe5: {  	v44 =	vmul.f32 v32, v9;
	v45 =	vmul.f32 v29, v9;
	v43 =	vld [tilespmem:s30+$0x880]  }
0xe6: {  	v47 =	vmul.f32 v33, v9;
	v48 =	vmul.f32 v31, v9;
	v46 =	vld [tilespmem:s30+$0x900]  }
0xe7: {  	v35 =	vmul.f32 v20, v9;
	v36 =	vmul.f32 v25, v9;
	v49 =	vld [tilespmem:s30+$0x980]  }
0xe8: {  	v33 =	vmul.f32 v30, v9;
	v34 =	vmul.f32 v34, v9;
	v50 =	vld [tilespmem:s4+$0x880]  }
0xe9: {  	v31 =	vmul.f32 v37, v9;
	v32 =	vmul.f32 v38, v9;
	v51 =	vld [tilespmem:s30+$0xA80]  }
0xea: {  	v29 =	vmul.f32 v39, v9;
	v30 =	vmul.f32 v40, v9;
	v37 =	vld [tilespmem:s30+$0xB00]  }
0xeb: {  	v20 =	vmul.f32 v41, v9;
	v25 =	vmul.f32 v42, v9;
	v39 =	vld [tilespmem:s30+$0xB80]  }
0xec: {  	v38 =	vmul.f32 v43, v10;
	v41 =	vmul.f32 v46, v10;
	v46 =	vld [tilespmem:s5+$0x880]  }
.Ltmp2:
0xed: {  	v43 =	vmul.f32 v49, v10;
	v49 =	vmul.f32 v50, v10;
	v40 =	vld [tilespmem:s30+$0x1880];
	(pc) =	sbr.rel @p1 .LBB2_4-.Ltmp2, $4  }
0xee: {  	v11 =	vadd.f32 v38, v11;
	v12 =	vadd.f32 v41, v12;
	v42 =	vmul.f32 v51, v10;
	v41 =	vld [tilespmem:s30+$0x1900]  }
0xef: {  	v13 =	vadd.f32 v43, v13;
	v14 =	vadd.f32 v49, v14;
	v43 =	vmul.f32 v37, v10;
	v38 =	vld [tilespmem:s30+$0x1980]  }
0xf0: {  	v11 =	vadd.f32 v44, v11;
	v12 =	vadd.f32 v45, v12;
	v44 =	vmul.f32 v39, v10;
	v39 =	vld [tilespmem:s11+$0x880]  }
0xf1: {  	s1 =	sadd.s32 $0x10, s1;
	v13 =	vadd.f32 v47, v13;
	v14 =	vadd.f32 v48, v14;
	v45 =	vmul.f32 v46, v10;
	v37 =	vld [tilespmem:s30+$0x1A80]  }
0xf2: {  	v16 =	vadd.f32 v42, v16;
	v28 =	vadd.f32 v43, v28  }
0xf3: {  	v40 =	vmul.f32 v40, v10;
	v56 =	vld [tilespmem:s30+$0x1B00];
	v26 =	vadd.f32 v44, v26;
	v27 =	vadd.f32 v45, v27  }
0xf4: {  	v57 =	vld [tilespmem:s30+$0x1B80];
	v41 =	vmul.f32 v41, v10;
	v42 =	vsel vm1, v14, v13;
	v16 =	vadd.f32 v35, v16  }
0xf5: {  	v61 =	vld [tilespmem:s30+$0x5B80];
	v44 =	vsel vm1, v13, v14;
	v28 =	vadd.f32 v36, v28;
	v26 =	vadd.f32 v33, v26  }
0xf6: {  	s1 =	sor.u32 $0x1380, s31;
	v58 =	vmul.f32 v38, v10;
	v23 =	vadd.f32 v40, v23;
	v27 =	vadd.f32 v34, v27  }
0xf7: {  	v59 =	vld [tilespmem:s1+$0x880];
	v60 =	vmul.f32 v39, v10;
	v24 =	vadd.f32 v41, v24;
	v37 =	vmul.f32 v37, v10  }
0xf8: {  	v62 =	vld [tilespmem:s1+$0x4880];
	v21 =	vadd.f32 v58, v21;
	v23 =	vadd.f32 v31, v23;
	v43 =	vsel vm1, v28, v16  }
0xf9: {  	v46 =	vsel vm1, v16, v28;
	v22 =	vadd.f32 v60, v22;
	v63 =	vmul.f32 v56, v10  }
0xfa: {  	v24 =	vadd.f32 v32, v24;
	v39 =	vmul.f32 v57, v10;
	v40 =	vmul.f32 v61, v9  }
0xfb: {  	v45 =	vperm.xlane v43, v3;
	v47 =	vsel vm1, v27, v26;
	v50 =	vsel vm1, v26, v27  }
0xfc: {  	v21 =	vadd.f32 v29, v21;
	v10 =	vmul.f32 v59, v10;
	v15 =	vadd.f32 v37, v15  }
0xfd: {  	v9 =	vmul.f32 v62, v9;
	v13 =	vperm.xlane v47, v3;
	v22 =	vadd.f32 v30, v22  }
0xfe: {  	v19 =	vadd.f32 v63, v19;
	v17 =	vadd.f32 v39, v17;
	v48 =	vsel vm1, v24, v23  }
0xff: {  	v51 =	vsel vm1, v23, v24;
	v10 =	vadd.f32 v10, v18;
	v15 =	vadd.f32 v20, v15  }
0x100: {  	v14 =	vperm.xlane v48, v3;
	v13 =	vadd.f32 v13, v50;
	v41 =	vadd.f32 v25, v19  }
0x101: {  	v17 =	vadd.f32 v40, v17;
	v19 =	vperm.xlane v42, v3;
	v49 =	vsel vm1, v22, v21  }
0x102: {  	v52 =	vsel vm1, v21, v22;
	v9 =	vadd.f32 v9, v10;
	v10 =	vsel vm1, v12, v11  }
0x103: {  	v11 =	vsel vm1, v11, v12;
	v16 =	vperm.xlane v49, v3;
	v10 =	vperm.xlane v10, v3  }
0x104: {  	v12 =	vadd.f32 v45, v46;
	v14 =	vadd.f32 v14, v51;
	v53 =	vsel vm1, v41, v15  }
0x105: {  	v16 =	vadd.f32 v16, v52;
	v54 =	vsel vm1, v9, v17;
	v10 =	vadd.f32 v10, v11  }
0x106: {  	v11 =	vadd.f32 v19, v44;
	v19 =	vperm.xlane v53, v3;
	v20 =	vperm.xlane v54, v3  }
0x107: {  	v15 =	vsel vm1, v15, v41;
	v9 =	vsel vm1, v17, v9;
	v57 =	vsel vm2, v16, v14  }
0x108: {  	v61 =	vsel vm2, v14, v16;
	v15 =	vadd.f32 v19, v15;
	v9 =	vadd.f32 v20, v9  }
0x109: {  	v55 =	vsel vm2, v11, v10;
	v10 =	vsel vm2, v10, v11;
	v11 =	vsel vm2, v13, v12  }
0x10a: {  	v56 =	vperm.xlane v55, v4;
	v11 =	vperm.xlane v11, v4;
	v58 =	vsel vm2, v9, v15  }
0x10b: {  	v12 =	vsel vm2, v12, v13;
	v59 =	vperm.xlane v57, v4;
	v60 =	vperm.xlane v58, v4  }
0x10c: {  	v9 =	vsel vm2, v15, v9;
	v10 =	vadd.f32 v56, v10;
	v11 =	vadd.f32 v11, v12  }
0x10d: {  	v12 =	vadd.f32 v59, v61;
	v9 =	vadd.f32 v60, v9;
	_ =	sdelay $0x1  }
0x10e: {  	v62 =	vsel vm3, v11, v10;
	v63 =	vsel vm3, v9, v12  }
0x10f: {  	v13 =	vperm.xlane v62, v5;
	v14 =	vperm.xlane v63, v5  }
0x110: {  	v10 =	vsel vm3, v10, v11;
	v9 =	vsel vm3, v12, v9  }
0x111: {  	v10 =	vadd.f32 v13, v10;
	v9 =	vadd.f32 v14, v9;
	_ =	sdelay $0x1  }
0x112: {  	v11 =	vsel vm4, v9, v10  }
0x113: {  	v11 =	vperm.xlane v11, v6  }
0x114: {  	v9 =	vsel vm4, v10, v9  }
.Ltmp3:
0x115: {  	v9 =	vadd.f32 v9, v11;
	(pc) =	sbr.rel @p0 .LBB2_3-.Ltmp3, $4  }
0x116: {  	_ = 	snop  }
0x117: {  	s31 =	sshll.u32 s28, $0x4;
	v9 =	vadd.f32 v9, v7  }
0x118: {  	s1 =	sand.u32 $0x3FFFFFF0, s31  }
0x119: {  	s28 =	simm.s32 $0x1;
	p1 =	por $0x0, $0x0;
	[tilespmem:v8+s1+$0x0 ss:$0x1] =	vst.idx.msk $0xffff, v9  }
0x11a: {  	p0 =	seq.s32 s23, $0x7  }
.Ltmp4:
0x11b: {  	_ = 	snop;
	(pc) =	sbr.rel @p0 .LBB2_8-.Ltmp4, $1  }
0x11c: {  	_ =	sdelay $0x3  }
0x11d: {  	v8 =	vld [tilespmem:s24+$0x4C0];
	_ =	sdelay $0x4  }
0x11e: {  	v9 =	vshll.u32 v8, $0x2  }
0x11f: {  	v8 =	vand.u32 $0x7, v8;
	v9 =	vand.u32 $0xFFFFFFE0, v9  }
0x120: {  	v8 =	vor.u32 v8, v9  }
0x121: {  	v9 =	vperm.xlane v8, v0;
	_ =	sdelay $0x1  }
0x122: {  	v9 =	vadd.s32 v1, v9;
	_ =	sdelay $0x1  }
0x123: {  	v8 =	vperm.xlane v8, v2;
	_ =	sdelay $0x1  }
0x124: {  	s1 =	simm.s32 $0x880;
	v8 =	vadd.s32 v1, v8  }
0x125: {  	[tilespmem:s1], [sflag:$0x1] =	stream.indirect_vreg.gather [hbm4b:s0+s3], $0x80, v9, vm0, $0xb8;
	[tilespmem:$0x10A80] =	vst v63  }
0x126: {  	s26 =	simm.s32 $0x1080  }
0x127: {  	[tilespmem:s26], [sflag:$0x1] =	stream.indirect_vreg.gather [hbm4b:s7+s3], $0x80, v9, vm0, $0xb8;
	[tilespmem:$0x10A80] =	vst v63  }
0x128: {  	s28 =	simm.s32 $0x1880  }
0x129: {  	[tilespmem:s28], [sflag:$0x1] =	stream.indirect_vreg.gather [hbm4b:s0+s3], $0x80, v8, vm0, $0xb8;
	[tilespmem:$0x10A80] =	vst v63  }
0x12a: {  	s29 =	simm.s32 $0x2080  }
0x12b: {  	[tilespmem:s29], [sflag:$0x1] =	stream.indirect_vreg.gather [hbm4b:s7+s3], $0x80, v8, vm0, $0xb8;
	[tilespmem:$0x10A80] =	vst v63  }
0x12c: {  	v8 =	vld [tilespmem:s24+$0x4D0];
	_ =	sdelay $0x4  }
0x12d: {  	v61 =	vshll.u32 v8, $0x2  }
0x12e: {  	v8 =	vand.u32 $0x7, v8;
	v9 =	vand.u32 $0xFFFFFFE0, v61  }
0x12f: {  	v8 =	vor.u32 v8, v9  }
0x130: {  	v9 =	vperm.xlane v8, v0;
	_ =	sdelay $0x1  }
0x131: {  	v9 =	vadd.s32 v1, v9;
	_ =	sdelay $0x1  }
0x132: {  	v8 =	vperm.xlane v8, v2;
	_ =	sdelay $0x1  }
0x133: {  	s30 =	simm.s32 $0x2880;
	v8 =	vadd.s32 v1, v8  }
0x134: {  	[tilespmem:s30], [sflag:$0x1] =	stream.indirect_vreg.gather [hbm4b:s0+s3], $0x80, v9, vm0, $0xb8;
	[tilespmem:$0x10A80] =	vst v63  }
0x135: {  	s31 =	simm.s32 $0x3080  }
0x136: {  	[tilespmem:s31], [sflag:$0x1] =	stream.indirect_vreg.gather [hbm4b:s7+s3], $0x80, v9, vm0, $0xb8;
	[tilespmem:$0x10A80] =	vst v63  }
0x137: {  	s2 =	simm.s32 $0x3880  }
0x138: {  	[tilespmem:s2], [sflag:$0x1] =	stream.indirect_vreg.gather [hbm4b:s0+s3], $0x80, v8, vm0, $0xb8;
	[tilespmem:$0x10A80] =	vst v63  }
0x139: {  	s4 =	simm.s32 $0x4080  }
0x13a: {  	[tilespmem:s4], [sflag:$0x1] =	stream.indirect_vreg.gather [hbm4b:s7+s3], $0x80, v8, vm0, $0xb8;
	[tilespmem:$0x10A80] =	vst v63  }
0x13b: {  	v8 =	vld [tilespmem:s24+$0x6C0];
	_ =	sdelay $0x4  }
0x13c: {  	v62 =	vshll.u32 v8, $0x2  }
0x13d: {  	v8 =	vand.u32 $0x7, v8;
	v9 =	vand.u32 $0xFFFFFFE0, v62  }
0x13e: {  	v8 =	vor.u32 v8, v9  }
0x13f: {  	v9 =	vperm.xlane v8, v0;
	_ =	sdelay $0x1  }
0x140: {  	v9 =	vadd.s32 v1, v9;
	_ =	sdelay $0x1  }
0x141: {  	v8 =	vperm.xlane v8, v2;
	_ =	sdelay $0x1  }
0x142: {  	s5 =	simm.s32 $0x4880;
	v8 =	vadd.s32 v1, v8  }
0x143: {  	[tilespmem:s5], [sflag:$0x2] =	stream.indirect_vreg.gather [hbm4b:s0+s3], $0x80, v9, vm0, $0xb8;
	[tilespmem:$0x10A80] =	vst v63  }
0x144: {  	s10 =	simm.s32 $0x5080  }
0x145: {  	[tilespmem:s10], [sflag:$0x2] =	stream.indirect_vreg.gather [hbm4b:s7+s3], $0x80, v9, vm0, $0xb8;
	[tilespmem:$0x10A80] =	vst v63  }
0x146: {  	s11 =	simm.s32 $0x5880  }
0x147: {  	[tilespmem:s11], [sflag:$0x2] =	stream.indirect_vreg.gather [hbm4b:s0+s3], $0x80, v8, vm0, $0xb8;
	[tilespmem:$0x10A80] =	vst v63  }
0x148: {  	s26 =	simm.s32 $0x6080  }
0x149: {  	[tilespmem:s26], [sflag:$0x2] =	stream.indirect_vreg.gather [hbm4b:s7+s3], $0x80, v8, vm0, $0xb8;
	[tilespmem:$0x10A80] =	vst v63  }
0x14a: {  	v8 =	vld [tilespmem:s24+$0x6D0];
	_ =	sdelay $0x4  }
0x14b: {  	v63 =	vshll.u32 v8, $0x2  }
0x14c: {  	v8 =	vand.u32 $0x7, v8;
	v9 =	vand.u32 $0xFFFFFFE0, v63  }
0x14d: {  	v8 =	vor.u32 v8, v9  }
0x14e: {  	v9 =	vperm.xlane v8, v0;
	_ =	sdelay $0x1  }
0x14f: {  	v9 =	vadd.s32 v1, v9;
	_ =	sdelay $0x1  }
0x150: {  	v8 =	vperm.xlane v8, v2;
	_ =	sdelay $0x1  }
0x151: {  	s28 =	simm.s32 $0x6880;
	v8 =	vadd.s32 v1, v8  }
0x152: {  	[tilespmem:s28], [sflag:$0x2] =	stream.indirect_vreg.gather [hbm4b:s0+s3], $0x80, v9, vm0, $0xb8;
	[tilespmem:$0x10A80] =	vst v63  }
0x153: {  	s29 =	simm.s32 $0x7080  }
0x154: {  	[tilespmem:s29], [sflag:$0x2] =	stream.indirect_vreg.gather [hbm4b:s7+s3], $0x80, v9, vm0, $0xb8;
	[tilespmem:$0x10A80] =	vst v63  }
0x155: {  	s30 =	simm.s32 $0x7880  }
0x156: {  	[tilespmem:s30], [sflag:$0x2] =	stream.indirect_vreg.gather [hbm4b:s0+s3], $0x80, v8, vm0, $0xb8;
	[tilespmem:$0x10A80] =	vst v63  }
0x157: {  	s31 =	simm.s32 $0x8080  }
0x158: {  	[tilespmem:s31], [sflag:$0x2] =	stream.indirect_vreg.gather [hbm4b:s7+s3], $0x80, v8, vm0, $0xb8;
	[tilespmem:$0x10A80] =	vst v63  }
.LBB2_8:
0x159: {  	_ =	swait.ge [sflag:s18], $0x4000  }
0x15a: {  	[sflag:s18] =	ssyncset.done $0x0  }
0x15b: {  	[sflag:s18] =	ssyncadd.s32 $0xFFFFC000  }
0x15c: {  	_ =	swait.ge [sflag:s22], $0x4000  }
0x15d: {  	s1 =	sadd.s32 $0x108A0, s25;
	s25 =	simm.s32 $0x0;
	[sflag:s22] =	ssyncset.done $0x0  }
0x15e: {  	p2 =	por $0x1, $0x1;
	s26 =	simm.s32 $0x0;
	v8 =	vmov s1;
	[sflag:s22] =	ssyncadd.s32 $0xFFFFC000  }
.LBB2_9:
0x15f: {  	s28 =	sshll.u32 s26, $0xD;
	s2 =	sand.u32 $0xC00, s25  }
0x160: {  	s1 =	sand.u32 $0x1F0, s25;
	s4 =	sand.u32 $0x70, s25;
	v10 =	vld [tilespmem:s25+$0x0];
	s5 =	sor.u32 s28, s2  }
0x161: {  	v9 =	vld [tilespmem:s1+$0x200];
	s29 =	sor.u32 s4, s5  }
0x162: {  	v11 =	vld [tilespmem:s29+$0xC880]  }
0x163: {  	v12 =	vld [tilespmem:s29+$0xC900]  }
0x164: {  	v13 =	vld [tilespmem:s29+$0xC980]  }
0x165: {  	v15 =	vld [tilespmem:s29+$0xCA80]  }
0x166: {  	v16 =	vld [tilespmem:s29+$0xCB00]  }
0x167: {  	v17 =	vld [tilespmem:s29+$0xCB80]  }
0x168: {  	v19 =	vld [tilespmem:s29+$0xD880]  }
0x169: {  	v20 =	vld [tilespmem:s29+$0xD900]  }
0x16a: {  	v21 =	vld [tilespmem:s29+$0xD980]  }
0x16b: {  	v23 =	vld [tilespmem:s29+$0xDA80]  }
0x16c: {  	s10 =	sand.u32 $0xFFFFFC00, s25;
	s11 =	sadd.s32 $0x0, s28;
	v24 =	vld [tilespmem:s29+$0x8880]  }
0x16d: {  	s1 =	sadd.s32 s10, s11;
	v25 =	vld [tilespmem:s29+$0x8900]  }
0x16e: {  	s30 =	sor.u32 s25, s11;
	s31 =	sor.u32 $0x180, s1;
	v26 =	vld [tilespmem:s29+$0x8980]  }
0x16f: {  	s2 =	sor.u32 $0x380, s30;
	v14 =	vld [tilespmem:s31+$0xC880]  }
0x170: {  	s1 =	sor.u32 $0x1180, s1;
	v18 =	vld [tilespmem:s2+$0xC880];
	v11 =	vmul.f32 v11, v9;
	v12 =	vmul.f32 v12, v9  }
0x171: {  	v22 =	vld [tilespmem:s1+$0xC880];
	v13 =	vmul.f32 v13, v9;
	v35 =	vmul.f32 v15, v9  }
0x172: {  	v36 =	vmul.f32 v16, v9;
	v15 =	vld [tilespmem:s31+$0x8880];
	v33 =	vmul.f32 v17, v9  }
0x173: {  	v17 =	vld [tilespmem:s29+$0xDB00];
	v31 =	vmul.f32 v19, v9;
	v32 =	vmul.f32 v20, v9  }
0x174: {  	v29 =	vmul.f32 v21, v9;
	v19 =	vld [tilespmem:s29+$0x8B00];
	v20 =	vmul.f32 v23, v9  }
0x175: {  	v21 =	vld [tilespmem:s29+$0x8B80];
	v23 =	vmul.f32 v25, v10;
	v26 =	vmul.f32 v26, v10  }
0x176: {  	v28 =	vimm.f32 $0.0e+00;
	v14 =	vmul.f32 v14, v9;
	v34 =	vmul.f32 v18, v9;
	v18 =	vld [tilespmem:s29+$0x8A80]  }
0x177: {  	v27 =	vimm.f32 $0.0e+00;
	v30 =	vmul.f32 v22, v9;
	v22 =	vmul.f32 v24, v10;
	v24 =	vld [tilespmem:s2+$0x8880]  }
0x178: {  	v16 =	vimm.f32 $0.0e+00;
	v15 =	vmul.f32 v15, v10;
	v25 =	vmul.f32 v17, v9  }
0x179: {  	v17 =	vadd.f32 v22, v16;
	v22 =	vadd.f32 v23, v16;
	v43 =	vmul.f32 v19, v10  }
0x17a: {  	v44 =	vmul.f32 v21, v10;
	v23 =	vimm.f32 $0.0e+00;
	v21 =	vimm.f32 $0.0e+00  }
0x17b: {  	v40 =	vld [tilespmem:s29+$0x9880];
	v19 =	vimm.f32 $0.0e+00;
	v42 =	vmul.f32 v18, v10;
	v18 =	vadd.f32 v26, v16  }
0x17c: {  	v41 =	vld [tilespmem:s29+$0x9900];
	v45 =	vmul.f32 v24, v10;
	v26 =	vimm.f32 $0.0e+00;
	v15 =	vadd.f32 v15, v16  }
0x17d: {  	v38 =	vld [tilespmem:s29+$0x9980];
	v24 =	vimm.f32 $0.0e+00;
	v11 =	vadd.f32 v11, v17;
	v12 =	vadd.f32 v12, v22  }
0x17e: {  	p1 =	por p2, p2;
	v39 =	vld [tilespmem:s1+$0x8880];
	v22 =	vimm.f32 $0.0e+00;
	v17 =	vimm.f32 $0.0e+00;
	v13 =	vadd.f32 v13, v18  }
0x17f: {  	s10 =	simm.s32 $0x0;
	v37 =	vld [tilespmem:s29+$0x9A80];
	s1 =	simm.s32 $0x10;
	s2 =	simm.s32 $0x0;
	v18 =	vimm.f32 $0.0e+00;
	v14 =	vadd.f32 v14, v15;
	v15 =	vimm.f32 $0.0e+00  }
.LBB2_10:
0x180: {  	p2 =	sne.s32 s1, $0x1F0;
	v16 =	vadd.f32 v42, v16;
	v28 =	vadd.f32 v43, v28;
	v40 =	vmul.f32 v40, v10;
	v42 =	vld [tilespmem:s29+$0x9B00]  }
0x181: {  	v26 =	vadd.f32 v44, v26;
	s4 =	sor.u32 $0x1380, s30;
	v27 =	vadd.f32 v45, v27;
	v41 =	vmul.f32 v41, v10;
	v43 =	vld [tilespmem:s29+$0x9B80]  }
0x182: {  	v16 =	vadd.f32 v35, v16;
	v28 =	vadd.f32 v36, v28;
	v35 =	vmul.f32 v38, v10;
	v36 =	vld [tilespmem:s4+$0x8880]  }
0x183: {  	s2 =	sadd.s32 $0x80, s2;
	v26 =	vadd.f32 v33, v26;
	v27 =	vadd.f32 v34, v27;
	v33 =	vmul.f32 v39, v10;
	v34 =	vld [tilespmem:s29+$0xDB80]  }
0x184: {  	s5 =	sand.u32 $0x1F0, s1;
	s11 =	sand.u32 $0xC00, s2;
	v23 =	vadd.f32 v40, v23;
	v24 =	vadd.f32 v41, v24;
	v37 =	vmul.f32 v37, v10;
	v38 =	vld [tilespmem:s4+$0xC880]  }
0x185: {  	s10 =	sadd.s32 $0x10, s10;
	s4 =	sand.u32 $0x70, s1;
	v21 =	vadd.f32 v35, v21;
	v39 =	vld [tilespmem:s5+$0x200];
	s5 =	sor.u32 s28, s11;
	v22 =	vadd.f32 v33, v22;
	v33 =	vmul.f32 v42, v10  }
0x186: {  	v23 =	vadd.f32 v31, v23;
	v24 =	vadd.f32 v32, v24;
	v35 =	vld [tilespmem:s10+$0x0];
	s29 =	sor.u32 s4, s5;
	v31 =	vmul.f32 v43, v10  }
0x187: {  	s4 =	sand.u32 $0xFFFFFC00, s2;
	s5 =	sadd.s32 s1, s28;
	v21 =	vadd.f32 v29, v21;
	v32 =	vld [tilespmem:s29+$0xC880];
	v22 =	vadd.f32 v30, v22;
	v10 =	vmul.f32 v36, v10  }
0x188: {  	v15 =	vadd.f32 v37, v15;
	s4 =	sadd.s32 s4, s5;
	v19 =	vadd.f32 v33, v19;
	v29 =	vld [tilespmem:s29+$0xC900];
	v30 =	vmul.f32 v34, v9  }
0x189: {  	s5 =	sor.u32 $0x180, s4;
	v17 =	vadd.f32 v31, v17;
	v33 =	vld [tilespmem:s29+$0xC980];
	v34 =	vadd.f32 v10, v18;
	v18 =	vmul.f32 v38, v9  }
0x18a: {  	v15 =	vadd.f32 v20, v15;
	v19 =	vadd.f32 v25, v19;
	v31 =	vld [tilespmem:s5+$0xC880];
	v9 =	vmov v39  }
0x18b: {  	s11 =	sadd.s32 s2, s28;
	v17 =	vadd.f32 v30, v17;
	v20 =	vld [tilespmem:s29+$0xCA80];
	v18 =	vadd.f32 v18, v34;
	v10 =	vmov v35  }
0x18c: {  	s30 =	sor.u32 s1, s11;
	v25 =	vld [tilespmem:s29+$0xCB00]  }
0x18d: {  	s11 =	sor.u32 $0x380, s30;
	v30 =	vld [tilespmem:s29+$0xCB80]  }
0x18e: {  	v34 =	vld [tilespmem:s11+$0xC880]  }
0x18f: {  	v37 =	vld [tilespmem:s29+$0xD880]  }
0x190: {  	v38 =	vld [tilespmem:s29+$0xD900]  }
0x191: {  	s4 =	sor.u32 $0x1180, s4;
	v39 =	vld [tilespmem:s29+$0xD980]  }
0x192: {  	v40 =	vld [tilespmem:s4+$0xC880]  }
0x193: {  	v41 =	vld [tilespmem:s29+$0xDA80]  }
0x194: {  	v42 =	vld [tilespmem:s29+$0xDB00]  }
0x195: {  	v44 =	vmul.f32 v32, v9;
	v45 =	vmul.f32 v29, v9;
	v43 =	vld [tilespmem:s29+$0x8880]  }
0x196: {  	v47 =	vmul.f32 v33, v9;
	v48 =	vmul.f32 v31, v9;
	v46 =	vld [tilespmem:s29+$0x8900]  }
0x197: {  	v35 =	vmul.f32 v20, v9;
	v36 =	vmul.f32 v25, v9;
	v49 =	vld [tilespmem:s29+$0x8980]  }
0x198: {  	v33 =	vmul.f32 v30, v9;
	v34 =	vmul.f32 v34, v9;
	v50 =	vld [tilespmem:s5+$0x8880]  }
0x199: {  	v31 =	vmul.f32 v37, v9;
	v32 =	vmul.f32 v38, v9;
	v51 =	vld [tilespmem:s29+$0x8A80]  }
0x19a: {  	v29 =	vmul.f32 v39, v9;
	v30 =	vmul.f32 v40, v9;
	v37 =	vld [tilespmem:s29+$0x8B00]  }
0x19b: {  	v20 =	vmul.f32 v41, v9;
	v25 =	vmul.f32 v42, v9;
	v39 =	vld [tilespmem:s29+$0x8B80]  }
0x19c: {  	v38 =	vmul.f32 v43, v10;
	v41 =	vmul.f32 v46, v10;
	v46 =	vld [tilespmem:s11+$0x8880]  }
.Ltmp5:
0x19d: {  	v43 =	vmul.f32 v49, v10;
	v49 =	vmul.f32 v50, v10;
	v40 =	vld [tilespmem:s29+$0x9880];
	(pc) =	sbr.rel @p2 .LBB2_10-.Ltmp5, $4  }
0x19e: {  	v11 =	vadd.f32 v38, v11;
	v12 =	vadd.f32 v41, v12;
	v42 =	vmul.f32 v51, v10;
	v41 =	vld [tilespmem:s29+$0x9900]  }
0x19f: {  	v13 =	vadd.f32 v43, v13;
	v14 =	vadd.f32 v49, v14;
	v43 =	vmul.f32 v37, v10;
	v38 =	vld [tilespmem:s29+$0x9980]  }
0x1a0: {  	v11 =	vadd.f32 v44, v11;
	v12 =	vadd.f32 v45, v12;
	v44 =	vmul.f32 v39, v10;
	v39 =	vld [tilespmem:s4+$0x8880]  }
0x1a1: {  	s1 =	sadd.s32 $0x10, s1;
	v13 =	vadd.f32 v47, v13;
	v14 =	vadd.f32 v48, v14;
	v45 =	vmul.f32 v46, v10;
	v37 =	vld [tilespmem:s29+$0x9A80]  }
0x1a2: {  	v16 =	vadd.f32 v42, v16;
	v28 =	vadd.f32 v43, v28  }
0x1a3: {  	v40 =	vmul.f32 v40, v10;
	v56 =	vld [tilespmem:s29+$0x9B00];
	v26 =	vadd.f32 v44, v26;
	v27 =	vadd.f32 v45, v27  }
0x1a4: {  	v57 =	vld [tilespmem:s29+$0x9B80];
	v41 =	vmul.f32 v41, v10;
	v42 =	vsel vm1, v14, v13;
	v16 =	vadd.f32 v35, v16  }
0x1a5: {  	v61 =	vld [tilespmem:s29+$0xDB80];
	v44 =	vsel vm1, v13, v14;
	v28 =	vadd.f32 v36, v28;
	v26 =	vadd.f32 v33, v26  }
0x1a6: {  	s1 =	sor.u32 $0x1380, s30;
	v58 =	vmul.f32 v38, v10;
	v23 =	vadd.f32 v40, v23;
	v27 =	vadd.f32 v34, v27  }
0x1a7: {  	v59 =	vld [tilespmem:s1+$0x8880];
	v60 =	vmul.f32 v39, v10;
	v24 =	vadd.f32 v41, v24;
	v37 =	vmul.f32 v37, v10  }
0x1a8: {  	v62 =	vld [tilespmem:s1+$0xC880];
	v21 =	vadd.f32 v58, v21;
	v23 =	vadd.f32 v31, v23;
	v43 =	vsel vm1, v28, v16  }
0x1a9: {  	v46 =	vsel vm1, v16, v28;
	v22 =	vadd.f32 v60, v22;
	v63 =	vmul.f32 v56, v10  }
0x1aa: {  	v24 =	vadd.f32 v32, v24;
	v39 =	vmul.f32 v57, v10;
	v40 =	vmul.f32 v61, v9  }
0x1ab: {  	v45 =	vperm.xlane v43, v3;
	v47 =	vsel vm1, v27, v26;
	v50 =	vsel vm1, v26, v27  }
0x1ac: {  	v21 =	vadd.f32 v29, v21;
	v10 =	vmul.f32 v59, v10;
	v15 =	vadd.f32 v37, v15  }
0x1ad: {  	v9 =	vmul.f32 v62, v9;
	v13 =	vperm.xlane v47, v3;
	v22 =	vadd.f32 v30, v22  }
0x1ae: {  	v19 =	vadd.f32 v63, v19;
	v17 =	vadd.f32 v39, v17;
	v48 =	vsel vm1, v24, v23  }
0x1af: {  	v51 =	vsel vm1, v23, v24;
	v10 =	vadd.f32 v10, v18;
	v15 =	vadd.f32 v20, v15  }
0x1b0: {  	v14 =	vperm.xlane v48, v3;
	v13 =	vadd.f32 v13, v50;
	v41 =	vadd.f32 v25, v19  }
0x1b1: {  	v17 =	vadd.f32 v40, v17;
	v19 =	vperm.xlane v42, v3;
	v49 =	vsel vm1, v22, v21  }
0x1b2: {  	v52 =	vsel vm1, v21, v22;
	v9 =	vadd.f32 v9, v10;
	v10 =	vsel vm1, v12, v11  }
0x1b3: {  	v11 =	vsel vm1, v11, v12;
	v16 =	vperm.xlane v49, v3;
	v10 =	vperm.xlane v10, v3  }
0x1b4: {  	v12 =	vadd.f32 v45, v46;
	v14 =	vadd.f32 v14, v51;
	v53 =	vsel vm1, v41, v15  }
0x1b5: {  	v16 =	vadd.f32 v16, v52;
	v54 =	vsel vm1, v9, v17;
	v10 =	vadd.f32 v10, v11  }
0x1b6: {  	v11 =	vadd.f32 v19, v44;
	v19 =	vperm.xlane v53, v3;
	v20 =	vperm.xlane v54, v3  }
0x1b7: {  	v15 =	vsel vm1, v15, v41;
	v9 =	vsel vm1, v17, v9;
	v57 =	vsel vm2, v16, v14  }
0x1b8: {  	v61 =	vsel vm2, v14, v16;
	v15 =	vadd.f32 v19, v15;
	v9 =	vadd.f32 v20, v9  }
0x1b9: {  	v55 =	vsel vm2, v11, v10;
	v10 =	vsel vm2, v10, v11;
	v11 =	vsel vm2, v13, v12  }
0x1ba: {  	v56 =	vperm.xlane v55, v4;
	v11 =	vperm.xlane v11, v4;
	v58 =	vsel vm2, v9, v15  }
0x1bb: {  	v12 =	vsel vm2, v12, v13;
	v59 =	vperm.xlane v57, v4;
	v60 =	vperm.xlane v58, v4  }
0x1bc: {  	v9 =	vsel vm2, v15, v9;
	v10 =	vadd.f32 v56, v10;
	v11 =	vadd.f32 v11, v12  }
0x1bd: {  	v12 =	vadd.f32 v59, v61;
	v9 =	vadd.f32 v60, v9;
	_ =	sdelay $0x1  }
0x1be: {  	v62 =	vsel vm3, v11, v10;
	v63 =	vsel vm3, v9, v12  }
0x1bf: {  	v13 =	vperm.xlane v62, v5;
	v14 =	vperm.xlane v63, v5  }
0x1c0: {  	v10 =	vsel vm3, v10, v11;
	v9 =	vsel vm3, v12, v9  }
0x1c1: {  	v10 =	vadd.f32 v13, v10;
	v9 =	vadd.f32 v14, v9;
	_ =	sdelay $0x1  }
0x1c2: {  	v11 =	vsel vm4, v9, v10  }
0x1c3: {  	v11 =	vperm.xlane v11, v6  }
0x1c4: {  	v9 =	vsel vm4, v10, v9  }
.Ltmp6:
0x1c5: {  	v9 =	vadd.f32 v9, v11;
	(pc) =	sbr.rel @p1 .LBB2_9-.Ltmp6, $4  }
0x1c6: {  	_ = 	snop  }
0x1c7: {  	s31 =	sshll.u32 s26, $0x4;
	v9 =	vadd.f32 v9, v7  }
0x1c8: {  	s1 =	sand.u32 $0x3FFFFFF0, s31  }
0x1c9: {  	s26 =	simm.s32 $0x1;
	p2 =	por $0x0, $0x0;
	[tilespmem:v8+s1+$0x0 ss:$0x1] =	vst.idx.msk $0xffff, v9  }
.Ltmp7:
0x1ca: {  	(pc) =	sbr.rel @p0 .LBB2_14-.Ltmp7, $1  }
0x1cb: {  	_ =	sdelay $0x3  }
0x1cc: {  	v8 =	vld [tilespmem:s24+$0x4E0];
	_ =	sdelay $0x4  }
0x1cd: {  	v9 =	vshll.u32 v8, $0x2  }
0x1ce: {  	v8 =	vand.u32 $0x7, v8;
	v9 =	vand.u32 $0xFFFFFFE0, v9  }
0x1cf: {  	v8 =	vor.u32 v8, v9  }
0x1d0: {  	v9 =	vperm.xlane v8, v0;
	_ =	sdelay $0x1  }
0x1d1: {  	v9 =	vadd.s32 v1, v9;
	_ =	sdelay $0x1  }
0x1d2: {  	v8 =	vperm.xlane v8, v2;
	_ =	sdelay $0x1  }
0x1d3: {  	s1 =	simm.s32 $0x8880;
	v8 =	vadd.s32 v1, v8  }
0x1d4: {  	[tilespmem:s1], [sflag:$0x3] =	stream.indirect_vreg.gather [hbm4b:s0+s3], $0x80, v9, vm0, $0xb8;
	[tilespmem:$0x10A80] =	vst v63  }
0x1d5: {  	s26 =	simm.s32 $0x9080  }
0x1d6: {  	[tilespmem:s26], [sflag:$0x3] =	stream.indirect_vreg.gather [hbm4b:s7+s3], $0x80, v9, vm0, $0xb8;
	[tilespmem:$0x10A80] =	vst v63  }
0x1d7: {  	s28 =	simm.s32 $0x9880  }
0x1d8: {  	[tilespmem:s28], [sflag:$0x3] =	stream.indirect_vreg.gather [hbm4b:s0+s3], $0x80, v8, vm0, $0xb8;
	[tilespmem:$0x10A80] =	vst v63  }
0x1d9: {  	s29 =	simm.s32 $0xA080  }
0x1da: {  	[tilespmem:s29], [sflag:$0x3] =	stream.indirect_vreg.gather [hbm4b:s7+s3], $0x80, v8, vm0, $0xb8;
	[tilespmem:$0x10A80] =	vst v63  }
0x1db: {  	v8 =	vld [tilespmem:s24+$0x4F0];
	_ =	sdelay $0x4  }
0x1dc: {  	v61 =	vshll.u32 v8, $0x2  }
0x1dd: {  	v8 =	vand.u32 $0x7, v8;
	v9 =	vand.u32 $0xFFFFFFE0, v61  }
0x1de: {  	v8 =	vor.u32 v8, v9  }
0x1df: {  	v9 =	vperm.xlane v8, v0;
	_ =	sdelay $0x1  }
0x1e0: {  	v9 =	vadd.s32 v1, v9;
	_ =	sdelay $0x1  }
0x1e1: {  	v8 =	vperm.xlane v8, v2;
	_ =	sdelay $0x1  }
0x1e2: {  	s30 =	simm.s32 $0xA880;
	v8 =	vadd.s32 v1, v8  }
0x1e3: {  	[tilespmem:s30], [sflag:$0x3] =	stream.indirect_vreg.gather [hbm4b:s0+s3], $0x80, v9, vm0, $0xb8;
	[tilespmem:$0x10A80] =	vst v63  }
0x1e4: {  	s31 =	simm.s32 $0xB080  }
0x1e5: {  	[tilespmem:s31], [sflag:$0x3] =	stream.indirect_vreg.gather [hbm4b:s7+s3], $0x80, v9, vm0, $0xb8;
	[tilespmem:$0x10A80] =	vst v63  }
0x1e6: {  	_ = 	snop  }
0x1e7: {  	[tilespmem:s6], [sflag:$0x3] =	stream.indirect_vreg.gather [hbm4b:s0+s3], $0x80, v8, vm0, $0xb8;
	[tilespmem:$0x10A80] =	vst v63  }
0x1e8: {  	_ = 	snop  }
0x1e9: {  	[tilespmem:s8], [sflag:$0x3] =	stream.indirect_vreg.gather [hbm4b:s7+s3], $0x80, v8, vm0, $0xb8;
	[tilespmem:$0x10A80] =	vst v63  }
0x1ea: {  	v8 =	vld [tilespmem:s24+$0x6E0];
	_ =	sdelay $0x4  }
0x1eb: {  	v62 =	vshll.u32 v8, $0x2  }
0x1ec: {  	v8 =	vand.u32 $0x7, v8;
	v9 =	vand.u32 $0xFFFFFFE0, v62  }
0x1ed: {  	v8 =	vor.u32 v8, v9  }
0x1ee: {  	v9 =	vperm.xlane v8, v0;
	_ =	sdelay $0x1  }
0x1ef: {  	v9 =	vadd.s32 v1, v9;
	_ =	sdelay $0x1  }
0x1f0: {  	v8 =	vperm.xlane v8, v2;
	_ =	sdelay $0x1  }
0x1f1: {  	v8 =	vadd.s32 v1, v8  }
0x1f2: {  	[tilespmem:s9], [sflag:$0x4] =	stream.indirect_vreg.gather [hbm4b:s0+s3], $0x80, v9, vm0, $0xb8;
	[tilespmem:$0x10A80] =	vst v63  }
0x1f3: {  	_ = 	snop  }
0x1f4: {  	[tilespmem:s14], [sflag:$0x4] =	stream.indirect_vreg.gather [hbm4b:s7+s3], $0x80, v9, vm0, $0xb8;
	[tilespmem:$0x10A80] =	vst v63  }
0x1f5: {  	_ = 	snop  }
0x1f6: {  	[tilespmem:s15], [sflag:$0x4] =	stream.indirect_vreg.gather [hbm4b:s0+s3], $0x80, v8, vm0, $0xb8;
	[tilespmem:$0x10A80] =	vst v63  }
0x1f7: {  	_ = 	snop  }
0x1f8: {  	[tilespmem:s16], [sflag:$0x4] =	stream.indirect_vreg.gather [hbm4b:s7+s3], $0x80, v8, vm0, $0xb8;
	[tilespmem:$0x10A80] =	vst v63  }
0x1f9: {  	v8 =	vld [tilespmem:s24+$0x6F0];
	_ =	sdelay $0x4  }
0x1fa: {  	v63 =	vshll.u32 v8, $0x2  }
0x1fb: {  	v8 =	vand.u32 $0x7, v8;
	v9 =	vand.u32 $0xFFFFFFE0, v63  }
0x1fc: {  	v8 =	vor.u32 v8, v9  }
0x1fd: {  	v9 =	vperm.xlane v8, v0;
	_ =	sdelay $0x1  }
0x1fe: {  	v9 =	vadd.s32 v1, v9;
	_ =	sdelay $0x2  }
0x1ff: {  	v8 =	vperm.xlane v8, v2;
	_ =	sdelay $0x1  }
0x200: {  	v8 =	vadd.s32 v1, v8;
	[tilespmem:s17], [sflag:$0x4] =	stream.indirect_vreg.gather [hbm4b:s0+s3], $0x80, v9, vm0, $0xb8;
	[tilespmem:$0x10A80] =	vst v63  }
0x201: {  	_ = 	snop  }
0x202: {  	[tilespmem:s19], [sflag:$0x4] =	stream.indirect_vreg.gather [hbm4b:s7+s3], $0x80, v9, vm0, $0xb8;
	[tilespmem:$0x10A80] =	vst v63  }
.Ltmp8:
0x203: {  	_ = 	snop;
	(pc) =	sbr.rel .LBB2_2-.Ltmp8, $4  }
0x204: {  	_ = 	snop  }
0x205: {  	[tilespmem:s20], [sflag:$0x4] =	stream.indirect_vreg.gather [hbm4b:s0+s3], $0x80, v8, vm0, $0xb8;
	[tilespmem:$0x10A80] =	vst v63  }
0x206: {  	s23 =	sadd.s32 $0x1, s23  }
0x207: {  	[tilespmem:s21], [sflag:$0x4] =	stream.indirect_vreg.gather [hbm4b:s7+s3], $0x80, v8, vm0, $0xb8;
	[tilespmem:$0x10A80] =	vst v63  }
.LBB2_15:
0x208: {  	_ =	sfence.sel $0x180000  }
0x209: {  	[bflag:$0x0] =	sbarrier.arrive $0xFFFF  }
0x20a: {  	_ =	strace $0x90000047  }
0x20b: {  	s0 =	stileid.u32;
	[bflag:$0x2] =	sbarrier.arrive $0xFFFF  }
0x20c: {  	p0 =	sne.s32 s0, $0x0;
	s0 =	rddreg [dreg:$0x3]  }
0x20d: {  	s0 =	sadd.s32 @!p0 $0x100000, s0  }
0x20e: {  	[sflag:s0] =	ssyncadd.tile.s32 @!p0 $0x1;
	_ =	shalt  }
.Lfunc_end2:
_tile_overlayer_lowered:
.L_overlay_start_2:
0x20f: {  	(tag) =	ssettag $0x2  }
0x210: {  	s0 =	rddreg [dreg:$0x0];
	s2 =	stileid.u32  }
0x211: {  	s1 =	rddreg [dreg:$0x1];
	p0 =	sne.s32 s2, $0x0  }
0x212: {  	s3 =	rddreg [dreg:$0x2];
	[bflag:$0x3] =	sbarrier.arrive $0xFFFF;
	s2 =	simm.s32 @!p0 $0x1C05  }
0x213: {  	[timem:s3], [sflag:s2] =	dma.local @!p0 [hbm:s0], s1  }
0x214: {  	s0 =	simm.s32 @!p0 $0x5  }
0x215: {  	_ =	swait.ge @!p0 [sflag:s0], s1  }
0x216: {  	s1 =	ssub.s32 @!p0 $0x0, s1;
	[sflag:s0] =	ssyncset.done @!p0 $0x0  }
0x217: {  	[sflag:s0] =	ssyncadd.s32 @!p0 s1  }
0x218: {  	[bflag:$0x3] =	sbarrier.arrive $0xFFFF  }
0x219: {  	_ =	shalt  }

</sc_bundles>
